<compile_context>
chip_gen: v7x
topology: tpu7x:2x2x1
jax: 0.10.2.dev20260603
libtpu: 0.0.44.dev20260713+nightly
codegen_flags: <defaults>
</compile_context>

<pallas_src>
import functools

import jax
import jax.numpy as jnp
from jax import lax
from jax.experimental import pallas as pl
from jax.experimental.pallas import tpu as pltpu
from jax.experimental.pallas import tpu_sc as plsc

B = 64
N = 2048
D = 3
S = 512
L = 16
CHUNKS = N // L
UNROLL = 8
NUM_CORES = 2
NUM_SUBCORES = 16
NW = NUM_CORES * NUM_SUBCORES
PER_W = B // NW


def _fps_one_cloud(xv, dist, samp, idxv):
  inf_v = jnp.full((L,), jnp.inf, dtype=jnp.float32)
  lanes = lax.broadcasted_iota(jnp.int32, (L,), 0)
  lane0 = lanes == 0
  zero_i = jnp.zeros((L,), dtype=jnp.int32)
  neg_inf_v = jnp.full((L,), -jnp.inf, dtype=jnp.float32)
  int_max_v = jnp.full((L,), jnp.int32(2147483647), dtype=jnp.int32)

  def init_body(c, carry):
    dist[pl.ds(c * L, L)] = inf_v
    return carry

  lax.fori_loop(0, CHUNKS, init_body, 0)

  def pick(j_vec, i_vec):
    plsc.store_scatter(idxv, [i_vec], j_vec, mask=lane0)
    qx = plsc.load_gather(xv, [j_vec])
    qy = plsc.load_gather(xv, [j_vec + N])
    qz = plsc.load_gather(xv, [j_vec + 2 * N])
    return qx, qy, qz

  px = zero_i.astype(jnp.float32) + xv[pl.ds(0, L)][0]
  py = zero_i.astype(jnp.float32) + xv[pl.ds(N, L)][0]
  pz = zero_i.astype(jnp.float32) + xv[pl.ds(2 * N, L)][0]
  plsc.store_scatter(idxv, [zero_i], zero_i, mask=lane0)

  def iter_body(i, carry):
    px, py, pz = carry

    def upd(off, bv, bi):
      dx = xv[pl.ds(off, L)] - px
      dy = xv[pl.ds(off + N, L)] - py
      dz = xv[pl.ds(off + 2 * N, L)] - pz
      d = dx * dx + (dy * dy + dz * dz)
      dm = jnp.minimum(dist[pl.ds(off, L)], d)
      dist[pl.ds(off, L)] = dm
      idx = off + lanes
      better = (dm > bv) | ((dm == bv) & (idx < bi))
      return jnp.where(better, dm, bv), jnp.where(better, idx, bi)

    @plsc.parallel_loop(0, CHUNKS, 2, unroll=UNROLL // 2,
                        carry=(neg_inf_v, zero_i, neg_inf_v, zero_i))
    def chunk_body(c, c_carry):
      bv0, bi0, bv1, bi1 = c_carry
      bv0, bi0 = upd(c * L, bv0, bi0)
      bv1, bi1 = upd(c * L + L, bv1, bi1)
      return (bv0, bi0, bv1, bi1)

    bv0, bi0, bv1, bi1 = chunk_body
    better = (bv1 > bv0) | ((bv1 == bv0) & (bi1 < bi0))
    bv = jnp.where(better, bv1, bv0)
    bi = jnp.where(better, bi1, bi0)
    m = jnp.max(bv)
    cand = jnp.where(bv == m, bi, int_max_v)
    j_vec = zero_i + jnp.min(cand)
    return pick(j_vec, zero_i + i)

  lax.fori_loop(1, S, iter_body, (px, py, pz))

  @plsc.parallel_loop(0, S // L, 1, unroll=4)
  def samp_body(c):
    base = c * L
    iv = idxv[pl.ds(base, L)]
    samp[pl.ds(base, L)] = plsc.load_gather(xv, [iv])
    samp[pl.ds(base + S, L)] = plsc.load_gather(xv, [iv + N])
    samp[pl.ds(base + 2 * S, L)] = plsc.load_gather(xv, [iv + 2 * N])
  del samp_body


@functools.partial(
    pl.kernel,
    mesh=plsc.VectorSubcoreMesh(core_axis_name="c", subcore_axis_name="s"),
    compiler_params=pltpu.CompilerParams(needs_layout_passes=False),
    out_type=[
        jax.ShapeDtypeStruct((B, D * S), jnp.float32),
        jax.ShapeDtypeStruct((B, S), jnp.int32),
    ],
    scratch_types=[
        pltpu.VMEM((D * N,), jnp.float32),
        pltpu.VMEM((N,), jnp.float32),
        pltpu.VMEM((D * S,), jnp.float32),
        pltpu.VMEM((S,), jnp.int32),
    ],
)
def _fps_sc(x_hbm, samp_hbm, idx_hbm, xv, dist, samp, idxv):
  wid = lax.axis_index("s") * NUM_CORES + lax.axis_index("c")
  for k in range(PER_W):
    b = wid * PER_W + k
    pltpu.sync_copy(x_hbm.at[b], xv)
    _fps_one_cloud(xv, dist, samp, idxv)
    pltpu.sync_copy(samp, samp_hbm.at[b])
    pltpu.sync_copy(idxv, idx_hbm.at[b])


@jax.jit
def kernel(x):
  xt = jnp.swapaxes(x, 1, 2).reshape(B, D * N)
  samp_t, idx = _fps_sc(xt)
  sampled = jnp.swapaxes(samp_t.reshape(B, D, S), 1, 2)
  return sampled, idx

# --- scband reference (transcript-rebuilt; emitter-appended) ---
"""Pipeline reference for scband-fpsmodel-80753975099708 (READ-ONLY COPY).

The authoritative reference and input builder live on the scoring server;
editing this copy changes nothing except your own understanding.
"""

import jax, jax.numpy as jnp
import numpy as np

NUM_SAMPLES = 512


def _fps(x, num_samples):
    # Farthest point sampling, batched.
    # x: [B, N, D] -> (sampled: [B, S, D], indices: int32[B, S])
    B, N, D = x.shape
    indices = jnp.zeros((B, num_samples), dtype=jnp.int32)  # first pick = point 0
    dists = jnp.full((B, N), jnp.inf, dtype=x.dtype)

    def body(i, carry):
        dists, indices = carry
        last = indices[:, i - 1]                                   # [B]
        last_pt = jax.vmap(lambda pts, j: pts[j])(x, last)          # [B, D] gather
        d = jnp.sum((x - last_pt[:, None, :]) ** 2, axis=-1)        # [B, N]
        dists = jnp.minimum(dists, d)
        nxt = jnp.argmax(dists, axis=-1).astype(jnp.int32)          # [B]
        indices = indices.at[:, i].set(nxt)
        return (dists, indices)

    dists, indices = jax.lax.fori_loop(1, num_samples, body, (dists, indices))
    sampled = jax.vmap(lambda pts, idx: jnp.take(pts, idx, axis=0))(x, indices)  # [B, S, D]
    return sampled, indices


def setup_inputs(seed: int = 0) -> dict:
    key = jax.random.key(seed)
    x = jax.random.uniform(key, (64, 2048, 3), dtype=jnp.float32)
    return {"x": x}


def reference(x):
    sampled_points, indices = _fps(x, NUM_SAMPLES)
    return (sampled_points, indices)

if __name__ == "__main__":
    import jax
    _d = setup_inputs()
    print(jax.jit(kernel)(*tuple(_d.values())))

</pallas_src>

<mosaic_0001>
#map = affine_map<(d0, d1) -> (0, 0)>
module attributes {stable_mosaic.version = 14 : i64} {
  func.func @_fps_sc(%arg0: i32, %arg1: i32, %arg2: memref<64x6144xf32, #tpu.memory_space<hbm>>, %arg3: memref<64x1536xf32, #tpu.memory_space<hbm>>, %arg4: memref<64x512xi32, #tpu.memory_space<hbm>>, %arg5: memref<6144xf32, #tpu.memory_space<vmem>>, %arg6: memref<2048xf32, #tpu.memory_space<vmem>>, %arg7: memref<1536xf32, #tpu.memory_space<vmem>>, %arg8: memref<512xi32, #tpu.memory_space<vmem>>) attributes {dimension_semantics = [#tpu.dimension_semantics<core_parallel>, #tpu.dimension_semantics<subcore_parallel>], iteration_bounds = array<i64: 2, 16>, scalar_prefetch = 0 : i64, scratch_operands = 4 : i64, tpu.core_type = #tpu.core_type<sc_vector_subcore>, window_params = [{transform_indices = #map}, {transform_indices = #map}, {transform_indices = #map}]} {
    %mul3A = arith.constant 2 : i32
    %mul3A_0 = arith.muli %arg1, %mul3A : i32
    %add3A = arith.addi %mul3A_0, %arg0 : i32
    %mul3A_1 = arith.constant 2 : i32
    %mul3A_2 = arith.muli %add3A, %mul3A_1 : i32
    %add3A_3 = arith.constant 0 : i32
    %add3A_4 = arith.addi %mul3A_2, %add3A_3 : i32
    "tpu.region"() ({
      %run_scoped3A = tpu.sem_alloc : memref<!tpu.dma_semaphore, #tpu.memory_space<semaphore_mem>>
      %dma_start3A = arith.constant 0 : i32
      %dma_start3A_96 = tpu.memref_slice %arg2[%add3A_4, %dma_start3A] : memref<64x6144xf32, #tpu.memory_space<hbm>> -> memref<1x6144xf32, #tpu.memory_space<hbm>>
      %dma_start3A_97 = tpu.memref_squeeze %dma_start3A_96 : memref<1x6144xf32, #tpu.memory_space<hbm>> -> memref<6144xf32, #tpu.memory_space<hbm>>
      %dma_start3A_98 = arith.constant 0 : i32
      %dma_start3A_99 = tpu.memref_slice %arg2[%add3A_4, %dma_start3A_98] : memref<64x6144xf32, #tpu.memory_space<hbm>> -> memref<1x6144xf32, #tpu.memory_space<hbm>>
      %dma_start3A_100 = tpu.memref_squeeze %dma_start3A_99 : memref<1x6144xf32, #tpu.memory_space<hbm>> -> memref<6144xf32, #tpu.memory_space<hbm>>
      tpu.enqueue_dma source(%dma_start3A_100 : memref<6144xf32, #tpu.memory_space<hbm>>) target(%arg5 : memref<6144xf32, #tpu.memory_space<vmem>>) target_semaphore(%run_scoped3A : memref<!tpu.dma_semaphore, #tpu.memory_space<semaphore_mem>>)
      %dma_wait3A = arith.constant 0 : i32
      %dma_wait3A_101 = tpu.memref_slice %arg2[%add3A_4, %dma_wait3A] : memref<64x6144xf32, #tpu.memory_space<hbm>> -> memref<1x6144xf32, #tpu.memory_space<hbm>>
      %dma_wait3A_102 = tpu.memref_squeeze %dma_wait3A_101 : memref<1x6144xf32, #tpu.memory_space<hbm>> -> memref<6144xf32, #tpu.memory_space<hbm>>
      %dma_wait3A_103 = arith.constant 0 : i32
      %dma_wait3A_104 = tpu.memref_slice %arg2[%add3A_4, %dma_wait3A_103] : memref<64x6144xf32, #tpu.memory_space<hbm>> -> memref<1x6144xf32, #tpu.memory_space<hbm>>
      %dma_wait3A_105 = tpu.memref_squeeze %dma_wait3A_104 : memref<1x6144xf32, #tpu.memory_space<hbm>> -> memref<6144xf32, #tpu.memory_space<hbm>>
      tpu.wait_dma2 semaphore(%run_scoped3A : memref<!tpu.dma_semaphore, #tpu.memory_space<semaphore_mem>>) src(%dma_wait3A_105 : memref<6144xf32, #tpu.memory_space<hbm>>) dst(%arg5 : memref<6144xf32, #tpu.memory_space<vmem>>)
      tpu.yield
    }) : () -> ()
    %broadcast_in_dim3A = arith.constant 0x7F800000 : f32
    %broadcast_in_dim3A_5 = vector.broadcast %broadcast_in_dim3A : f32 to vector<16xf32>
    %iota3A = tpu.iota {dimensions = array<i32: 0>} : vector<16xi32>
    %eq3A = arith.constant 0 : i32
    %eq3A_6 = vector.broadcast %eq3A : i32 to vector<16xi32>
    %eq3A_7 = arith.cmpi eq, %iota3A, %eq3A_6 : vector<16xi32>
    %broadcast_in_dim3A_8 = arith.constant 0 : i32
    %broadcast_in_dim3A_9 = vector.broadcast %broadcast_in_dim3A_8 : i32 to vector<16xi32>
    %broadcast_in_dim3A_10 = arith.constant 0xFF800000 : f32
    %broadcast_in_dim3A_11 = vector.broadcast %broadcast_in_dim3A_10 : f32 to vector<16xf32>
    %broadcast_in_dim3A_12 = arith.constant 2147483647 : i32
    %broadcast_in_dim3A_13 = vector.broadcast %broadcast_in_dim3A_12 : i32 to vector<16xi32>
    %scan3A = arith.constant 0 : i32
    %scan3A_14 = arith.constant 0 : i32
    %scan3A_15 = arith.constant 128 : i32
    %scan3A_16 = arith.addi %scan3A_14, %scan3A_15 : i32
    %scan3A_17 = arith.constant 1 : i32
    scf.for %scan3A_96 = %scan3A_14 to %scan3A_16 step %scan3A_17  : i32 {
      %mul3A_97 = arith.constant 16 : i32
      %mul3A_98 = arith.muli %scan3A_96, %mul3A_97 : i32
      %swap3A = arith.index_cast %mul3A_98 : i32 to index
      %swap3A_99 = tpu.vector_load %arg6[%swap3A] {strides = array<i32>} : memref<2048xf32, #tpu.memory_space<vmem>>, vector<16xf32>,
      tpu.vector_store %arg6[%swap3A], %broadcast_in_dim3A_5 {strides = array<i32>} : memref<2048xf32, #tpu.memory_space<vmem>>, vector<16xf32>,
    }
    %scan3A_18 = arith.constant 128 : i32
    %convert_element_type3A = arith.sitofp %broadcast_in_dim3A_9 : vector<16xi32> to vector<16xf32>
    %get3A = arith.constant 0 : index
    %get3A_19 = tpu.vector_load %arg5[%get3A] {strides = array<i32>} : memref<6144xf32, #tpu.memory_space<vmem>>, vector<16xf32>,
    %slice3A = vector.extract_strided_slice %get3A_19 {offsets = [0], sizes = [1], strides = [1]} : vector<16xf32> to vector<1xf32>
    %squeeze3A = vector.extract %slice3A[0] : f32 from vector<1xf32>
    %add3A_20 = vector.broadcast %squeeze3A : f32 to vector<16xf32>
    %add3A_21 = arith.addf %convert_element_type3A, %add3A_20 : vector<16xf32>
    %convert_element_type3A_22 = arith.sitofp %broadcast_in_dim3A_9 : vector<16xi32> to vector<16xf32>
    %get3A_23 = arith.constant 2048 : index
    %get3A_24 = tpu.vector_load %arg5[%get3A_23] {strides = array<i32>} : memref<6144xf32, #tpu.memory_space<vmem>>, vector<16xf32>,
    %slice3A_25 = vector.extract_strided_slice %get3A_24 {offsets = [0], sizes = [1], strides = [1]} : vector<16xf32> to vector<1xf32>
    %squeeze3A_26 = vector.extract %slice3A_25[0] : f32 from vector<1xf32>
    %add3A_27 = vector.broadcast %squeeze3A_26 : f32 to vector<16xf32>
    %add3A_28 = arith.addf %convert_element_type3A_22, %add3A_27 : vector<16xf32>
    %convert_element_type3A_29 = arith.sitofp %broadcast_in_dim3A_9 : vector<16xi32> to vector<16xf32>
    %get3A_30 = arith.constant 4096 : index
    %get3A_31 = tpu.vector_load %arg5[%get3A_30] {strides = array<i32>} : memref<6144xf32, #tpu.memory_space<vmem>>, vector<16xf32>,
    %slice3A_32 = vector.extract_strided_slice %get3A_31 {offsets = [0], sizes = [1], strides = [1]} : vector<16xf32> to vector<1xf32>
    %squeeze3A_33 = vector.extract %slice3A_32[0] : f32 from vector<1xf32>
    %add3A_34 = vector.broadcast %squeeze3A_33 : f32 to vector<16xf32>
    %add3A_35 = arith.addf %convert_element_type3A_29, %add3A_34 : vector<16xf32>
    tpu.vector_store_idx %arg8[%broadcast_in_dim3A_9], %broadcast_in_dim3A_9 masked %eq3A_7 : memref<512xi32, #tpu.memory_space<vmem>>[vector<16xi32>], vector<16xi32>, vector<16xi1>
    %scan3A_36 = arith.constant 1 : i32
    %scan3A_37 = arith.constant 511 : i32
    %scan3A_38 = arith.addi %scan3A_36, %scan3A_37 : i32
    %scan3A_39 = arith.constant 1 : i32
    %scan3A_40:3 = scf.for %scan3A_96 = %scan3A_36 to %scan3A_38 step %scan3A_39 iter_args(%scan3A_97 = %add3A_21, %scan3A_98 = %add3A_28, %scan3A_99 = %add3A_35) -> (vector<16xf32>, vector<16xf32>, vector<16xf32>)  : i32 {
      %parallel_loop3A_100 = arith.constant 0 : i32
      %parallel_loop3A_101 = arith.constant 128 : i32
      %parallel_loop3A_102 = arith.constant 2 : i32
      %parallel_loop3A_103:4 = scf.for %parallel_loop3A_131 = %parallel_loop3A_100 to %parallel_loop3A_101 step %parallel_loop3A_102 iter_args(%parallel_loop3A_132 = %broadcast_in_dim3A_11, %parallel_loop3A_133 = %broadcast_in_dim3A_9, %parallel_loop3A_134 = %broadcast_in_dim3A_11, %parallel_loop3A_135 = %broadcast_in_dim3A_9) -> (vector<16xf32>, vector<16xi32>, vector<16xf32>, vector<16xi32>)  : i32 {
        %parallel_loop3A_136 = arith.constant 16 : i32
        %parallel_loop3A_137 = arith.muli %parallel_loop3A_131, %parallel_loop3A_136 : i32
        %parallel_loop3A_138 = arith.index_cast %parallel_loop3A_137 : i32 to index
        %parallel_loop3A_139 = tpu.vector_load %arg5[%parallel_loop3A_138] {strides = array<i32>} : memref<6144xf32, #tpu.memory_space<vmem>>, vector<16xf32>,
        %parallel_loop3A_140 = arith.subf %parallel_loop3A_139, %scan3A_97 : vector<16xf32>
        %parallel_loop3A_141 = arith.constant 2048 : i32
        %parallel_loop3A_142 = arith.addi %parallel_loop3A_137, %parallel_loop3A_141 : i32
        %parallel_loop3A_143 = arith.index_cast %parallel_loop3A_142 : i32 to index
        %parallel_loop3A_144 = tpu.vector_load %arg5[%parallel_loop3A_143] {strides = array<i32>} : memref<6144xf32, #tpu.memory_space<vmem>>, vector<16xf32>,
        %parallel_loop3A_145 = arith.subf %parallel_loop3A_144, %scan3A_98 : vector<16xf32>
        %parallel_loop3A_146 = arith.constant 4096 : i32
        %parallel_loop3A_147 = arith.addi %parallel_loop3A_137, %parallel_loop3A_146 : i32
        %parallel_loop3A_148 = arith.index_cast %parallel_loop3A_147 : i32 to index
        %parallel_loop3A_149 = tpu.vector_load %arg5[%parallel_loop3A_148] {strides = array<i32>} : memref<6144xf32, #tpu.memory_space<vmem>>, vector<16xf32>,
        %parallel_loop3A_150 = arith.subf %parallel_loop3A_149, %scan3A_99 : vector<16xf32>
        %parallel_loop3A_151 = arith.mulf %parallel_loop3A_140, %parallel_loop3A_140 : vector<16xf32>
        %parallel_loop3A_152 = arith.mulf %parallel_loop3A_145, %parallel_loop3A_145 : vector<16xf32>
        %parallel_loop3A_153 = arith.mulf %parallel_loop3A_150, %parallel_loop3A_150 : vector<16xf32>
        %parallel_loop3A_154 = arith.addf %parallel_loop3A_152, %parallel_loop3A_153 : vector<16xf32>
        %parallel_loop3A_155 = arith.addf %parallel_loop3A_151, %parallel_loop3A_154 : vector<16xf32>
        %parallel_loop3A_156 = arith.index_cast %parallel_loop3A_137 : i32 to index
        %parallel_loop3A_157 = tpu.vector_load %arg6[%parallel_loop3A_156] {strides = array<i32>} : memref<2048xf32, #tpu.memory_space<vmem>>, vector<16xf32>,
        %parallel_loop3A_158 = arith.minimumf %parallel_loop3A_157, %parallel_loop3A_155 : vector<16xf32>
        %parallel_loop3A_159 = arith.index_cast %parallel_loop3A_137 : i32 to index
        %parallel_loop3A_160 = tpu.vector_load %arg6[%parallel_loop3A_159] {strides = array<i32>} : memref<2048xf32, #tpu.memory_space<vmem>>, vector<16xf32>,
        tpu.vector_store %arg6[%parallel_loop3A_159], %parallel_loop3A_158 {strides = array<i32>} : memref<2048xf32, #tpu.memory_space<vmem>>, vector<16xf32>,
        %parallel_loop3A_161 = vector.broadcast %parallel_loop3A_137 : i32 to vector<16xi32>
        %parallel_loop3A_162 = arith.addi %parallel_loop3A_161, %iota3A : vector<16xi32>
        %parallel_loop3A_163 = arith.cmpf ogt, %parallel_loop3A_158, %parallel_loop3A_132 : vector<16xf32>
        %parallel_loop3A_164 = arith.cmpf oeq, %parallel_loop3A_158, %parallel_loop3A_132 : vector<16xf32>
        %parallel_loop3A_165 = arith.cmpi slt, %parallel_loop3A_162, %parallel_loop3A_133 : vector<16xi32>
        %parallel_loop3A_166 = arith.andi %parallel_loop3A_164, %parallel_loop3A_165 : vector<16xi1>
        %parallel_loop3A_167 = arith.ori %parallel_loop3A_163, %parallel_loop3A_166 : vector<16xi1>
        %parallel_loop3A_168 = arith.select %parallel_loop3A_167, %parallel_loop3A_158, %parallel_loop3A_132 : vector<16xi1>, vector<16xf32>
        %parallel_loop3A_169 = arith.select %parallel_loop3A_167, %parallel_loop3A_162, %parallel_loop3A_133 : vector<16xi1>, vector<16xi32>
        %parallel_loop3A_170 = arith.constant 16 : i32
        %parallel_loop3A_171 = arith.muli %parallel_loop3A_131, %parallel_loop3A_170 : i32
        %parallel_loop3A_172 = arith.constant 16 : i32
        %parallel_loop3A_173 = arith.addi %parallel_loop3A_171, %parallel_loop3A_172 : i32
        %parallel_loop3A_174 = arith.index_cast %parallel_loop3A_173 : i32 to index
        %parallel_loop3A_175 = tpu.vector_load %arg5[%parallel_loop3A_174] {strides = array<i32>} : memref<6144xf32, #tpu.memory_space<vmem>>, vector<16xf32>,
        %parallel_loop3A_176 = arith.subf %parallel_loop3A_175, %scan3A_97 : vector<16xf32>
        %parallel_loop3A_177 = arith.constant 2048 : i32
        %parallel_loop3A_178 = arith.addi %parallel_loop3A_173, %parallel_loop3A_177 : i32
        %parallel_loop3A_179 = arith.index_cast %parallel_loop3A_178 : i32 to index
        %parallel_loop3A_180 = tpu.vector_load %arg5[%parallel_loop3A_179] {strides = array<i32>} : memref<6144xf32, #tpu.memory_space<vmem>>, vector<16xf32>,
        %parallel_loop3A_181 = arith.subf %parallel_loop3A_180, %scan3A_98 : vector<16xf32>
        %parallel_loop3A_182 = arith.constant 4096 : i32
        %parallel_loop3A_183 = arith.addi %parallel_loop3A_173, %parallel_loop3A_182 : i32
        %parallel_loop3A_184 = arith.index_cast %parallel_loop3A_183 : i32 to index
        %parallel_loop3A_185 = tpu.vector_load %arg5[%parallel_loop3A_184] {strides = array<i32>} : memref<6144xf32, #tpu.memory_space<vmem>>, vector<16xf32>,
        %parallel_loop3A_186 = arith.subf %parallel_loop3A_185, %scan3A_99 : vector<16xf32>
        %parallel_loop3A_187 = arith.mulf %parallel_loop3A_176, %parallel_loop3A_176 : vector<16xf32>
        %parallel_loop3A_188 = arith.mulf %parallel_loop3A_181, %parallel_loop3A_181 : vector<16xf32>
        %parallel_loop3A_189 = arith.mulf %parallel_loop3A_186, %parallel_loop3A_186 : vector<16xf32>
        %parallel_loop3A_190 = arith.addf %parallel_loop3A_188, %parallel_loop3A_189 : vector<16xf32>
        %parallel_loop3A_191 = arith.addf %parallel_loop3A_187, %parallel_loop3A_190 : vector<16xf32>
        %parallel_loop3A_192 = arith.index_cast %parallel_loop3A_173 : i32 to index
        %parallel_loop3A_193 = tpu.vector_load %arg6[%parallel_loop3A_192] {strides = array<i32>} : memref<2048xf32, #tpu.memory_space<vmem>>, vector<16xf32>,
        %parallel_loop3A_194 = arith.minimumf %parallel_loop3A_193, %parallel_loop3A_191 : vector<16xf32>
        %parallel_loop3A_195 = arith.index_cast %parallel_loop3A_173 : i32 to index
        %parallel_loop3A_196 = tpu.vector_load %arg6[%parallel_loop3A_195] {strides = array<i32>} : memref<2048xf32, #tpu.memory_space<vmem>>, vector<16xf32>,
        tpu.vector_store %arg6[%parallel_loop3A_195], %parallel_loop3A_194 {strides = array<i32>} : memref<2048xf32, #tpu.memory_space<vmem>>, vector<16xf32>,
        %parallel_loop3A_197 = vector.broadcast %parallel_loop3A_173 : i32 to vector<16xi32>
        %parallel_loop3A_198 = arith.addi %parallel_loop3A_197, %iota3A : vector<16xi32>
        %parallel_loop3A_199 = arith.cmpf ogt, %parallel_loop3A_194, %parallel_loop3A_134 : vector<16xf32>
        %parallel_loop3A_200 = arith.cmpf oeq, %parallel_loop3A_194, %parallel_loop3A_134 : vector<16xf32>
        %parallel_loop3A_201 = arith.cmpi slt, %parallel_loop3A_198, %parallel_loop3A_135 : vector<16xi32>
        %parallel_loop3A_202 = arith.andi %parallel_loop3A_200, %parallel_loop3A_201 : vector<16xi1>
        %parallel_loop3A_203 = arith.ori %parallel_loop3A_199, %parallel_loop3A_202 : vector<16xi1>
        %parallel_loop3A_204 = arith.select %parallel_loop3A_203, %parallel_loop3A_194, %parallel_loop3A_134 : vector<16xi1>, vector<16xf32>
        %parallel_loop3A_205 = arith.select %parallel_loop3A_203, %parallel_loop3A_198, %parallel_loop3A_135 : vector<16xi1>, vector<16xi32>
        scf.yield %parallel_loop3A_168, %parallel_loop3A_169, %parallel_loop3A_204, %parallel_loop3A_205 : vector<16xf32>, vector<16xi32>, vector<16xf32>, vector<16xi32>
      } {sc.loop_unroll_factor = 4 : i64, sc.parallel_access}
      %gt3A = arith.cmpf ogt, %parallel_loop3A_103#2, %parallel_loop3A_103#0 : vector<16xf32>
      %eq3A_104 = arith.cmpf oeq, %parallel_loop3A_103#2, %parallel_loop3A_103#0 : vector<16xf32>
      %lt3A = arith.cmpi slt, %parallel_loop3A_103#3, %parallel_loop3A_103#1 : vector<16xi32>
      %and3A = arith.andi %eq3A_104, %lt3A : vector<16xi1>
      %or3A = arith.ori %gt3A, %and3A : vector<16xi1>
      %select_n3A = arith.select %or3A, %parallel_loop3A_103#2, %parallel_loop3A_103#0 : vector<16xi1>, vector<16xf32>
      %select_n3A_105 = arith.select %or3A, %parallel_loop3A_103#3, %parallel_loop3A_103#1 : vector<16xi1>, vector<16xi32>
      %reduce_max3A = arith.constant true
      %reduce_max3A_106 = vector.broadcast %reduce_max3A : i1 to vector<16xi1>
      %reduce_max3A_107 = tpu.scan <max>, %select_n3A masked %reduce_max3A_106 : vector<16xf32>, vector<16xi1> -> vector<16xf32>
      %reduce_max3A_108 = vector.extract %reduce_max3A_107[15] : f32 from vector<16xf32>
      %eq3A_109 = vector.broadcast %reduce_max3A_108 : f32 to vector<16xf32>
      %eq3A_110 = arith.cmpf oeq, %select_n3A, %eq3A_109 : vector<16xf32>
      %select_n3A_111 = arith.select %eq3A_110, %select_n3A_105, %broadcast_in_dim3A_13 : vector<16xi1>, vector<16xi32>
      %reduce_min3A = arith.constant true
      %reduce_min3A_112 = vector.broadcast %reduce_min3A : i1 to vector<16xi1>
      %reduce_min3A_113 = arith.constant -2147483648 : i32
      %reduce_min3A_114 = vector.broadcast %reduce_min3A_113 : i32 to vector<16xi32>
      %reduce_min3A_115 = arith.xori %select_n3A_111, %reduce_min3A_114 : vector<16xi32>
      %reduce_min3A_116 = tpu.scan <min>, %reduce_min3A_115 masked %reduce_min3A_112 : vector<16xi32>, vector<16xi1> -> vector<16xi32>
      %reduce_min3A_117 = arith.xori %reduce_min3A_116, %reduce_min3A_114 : vector<16xi32>
      %reduce_min3A_118 = vector.extract %reduce_min3A_117[15] : i32 from vector<16xi32>
      %add3A_119 = vector.broadcast %reduce_min3A_118 : i32 to vector<16xi32>
      %add3A_120 = arith.addi %broadcast_in_dim3A_9, %add3A_119 : vector<16xi32>
      %add3A_121 = vector.broadcast %scan3A_96 : i32 to vector<16xi32>
      %add3A_122 = arith.addi %broadcast_in_dim3A_9, %add3A_121 : vector<16xi32>
      tpu.vector_store_idx %arg8[%add3A_122], %add3A_120 masked %eq3A_7 : memref<512xi32, #tpu.memory_space<vmem>>[vector<16xi32>], vector<16xi32>, vector<16xi1>
      %gather3A = tpu.vector_load_idx %arg5[%add3A_120] : memref<6144xf32, #tpu.memory_space<vmem>>[vector<16xi32>], vector<16xf32>,
      %add3A_123 = arith.constant 2048 : i32
      %add3A_124 = vector.broadcast %add3A_123 : i32 to vector<16xi32>
      %add3A_125 = arith.addi %add3A_120, %add3A_124 : vector<16xi32>
      %gather3A_126 = tpu.vector_load_idx %arg5[%add3A_125] : memref<6144xf32, #tpu.memory_space<vmem>>[vector<16xi32>], vector<16xf32>,
      %add3A_127 = arith.constant 4096 : i32
      %add3A_128 = vector.broadcast %add3A_127 : i32 to vector<16xi32>
      %add3A_129 = arith.addi %add3A_120, %add3A_128 : vector<16xi32>
      %gather3A_130 = tpu.vector_load_idx %arg5[%add3A_129] : memref<6144xf32, #tpu.memory_space<vmem>>[vector<16xi32>], vector<16xf32>,
      scf.yield %gather3A, %gather3A_126, %gather3A_130 : vector<16xf32>, vector<16xf32>, vector<16xf32>
    }
    %scan3A_41 = arith.constant 511 : i32
    %parallel_loop3A = arith.constant 0 : i32
    %parallel_loop3A_42 = arith.constant 32 : i32
    %parallel_loop3A_43 = arith.constant 1 : i32
    scf.for %parallel_loop3A_96 = %parallel_loop3A to %parallel_loop3A_42 step %parallel_loop3A_43  : i32 {
      %parallel_loop3A_97 = arith.constant 16 : i32
      %parallel_loop3A_98 = arith.muli %parallel_loop3A_96, %parallel_loop3A_97 : i32
      %parallel_loop3A_99 = arith.index_cast %parallel_loop3A_98 : i32 to index
      %parallel_loop3A_100 = tpu.vector_load %arg8[%parallel_loop3A_99] {strides = array<i32>} : memref<512xi32, #tpu.memory_space<vmem>>, vector<16xi32>,
      %parallel_loop3A_101 = tpu.vector_load_idx %arg5[%parallel_loop3A_100] : memref<6144xf32, #tpu.memory_space<vmem>>[vector<16xi32>], vector<16xf32>,
      %parallel_loop3A_102 = arith.index_cast %parallel_loop3A_98 : i32 to index
      %parallel_loop3A_103 = tpu.vector_load %arg7[%parallel_loop3A_102] {strides = array<i32>} : memref<1536xf32, #tpu.memory_space<vmem>>, vector<16xf32>,
      tpu.vector_store %arg7[%parallel_loop3A_102], %parallel_loop3A_101 {strides = array<i32>} : memref<1536xf32, #tpu.memory_space<vmem>>, vector<16xf32>,
      %parallel_loop3A_104 = arith.constant 2048 : i32
      %parallel_loop3A_105 = vector.broadcast %parallel_loop3A_104 : i32 to vector<16xi32>
      %parallel_loop3A_106 = arith.addi %parallel_loop3A_100, %parallel_loop3A_105 : vector<16xi32>
      %parallel_loop3A_107 = tpu.vector_load_idx %arg5[%parallel_loop3A_106] : memref<6144xf32, #tpu.memory_space<vmem>>[vector<16xi32>], vector<16xf32>,
      %parallel_loop3A_108 = arith.constant 512 : i32
      %parallel_loop3A_109 = arith.addi %parallel_loop3A_98, %parallel_loop3A_108 : i32
      %parallel_loop3A_110 = arith.index_cast %parallel_loop3A_109 : i32 to index
      %parallel_loop3A_111 = tpu.vector_load %arg7[%parallel_loop3A_110] {strides = array<i32>} : memref<1536xf32, #tpu.memory_space<vmem>>, vector<16xf32>,
      tpu.vector_store %arg7[%parallel_loop3A_110], %parallel_loop3A_107 {strides = array<i32>} : memref<1536xf32, #tpu.memory_space<vmem>>, vector<16xf32>,
      %parallel_loop3A_112 = arith.constant 4096 : i32
      %parallel_loop3A_113 = vector.broadcast %parallel_loop3A_112 : i32 to vector<16xi32>
      %parallel_loop3A_114 = arith.addi %parallel_loop3A_100, %parallel_loop3A_113 : vector<16xi32>
      %parallel_loop3A_115 = tpu.vector_load_idx %arg5[%parallel_loop3A_114] : memref<6144xf32, #tpu.memory_space<vmem>>[vector<16xi32>], vector<16xf32>,
      %parallel_loop3A_116 = arith.constant 1024 : i32
      %parallel_loop3A_117 = arith.addi %parallel_loop3A_98, %parallel_loop3A_116 : i32
      %parallel_loop3A_118 = arith.index_cast %parallel_loop3A_117 : i32 to index
      %parallel_loop3A_119 = tpu.vector_load %arg7[%parallel_loop3A_118] {strides = array<i32>} : memref<1536xf32, #tpu.memory_space<vmem>>, vector<16xf32>,
      tpu.vector_store %arg7[%parallel_loop3A_118], %parallel_loop3A_115 {strides = array<i32>} : memref<1536xf32, #tpu.memory_space<vmem>>, vector<16xf32>,
    } {sc.loop_unroll_factor = 4 : i64, sc.parallel_access}
    "tpu.region"() ({
      %run_scoped3A = tpu.sem_alloc : memref<!tpu.dma_semaphore, #tpu.memory_space<semaphore_mem>>
      %dma_start3A = arith.constant 0 : i32
      %dma_start3A_96 = tpu.memref_slice %arg3[%add3A_4, %dma_start3A] : memref<64x1536xf32, #tpu.memory_space<hbm>> -> memref<1x1536xf32, #tpu.memory_space<hbm>>
      %dma_start3A_97 = tpu.memref_squeeze %dma_start3A_96 : memref<1x1536xf32, #tpu.memory_space<hbm>> -> memref<1536xf32, #tpu.memory_space<hbm>>
      %dma_start3A_98 = arith.constant 0 : i32
      %dma_start3A_99 = tpu.memref_slice %arg3[%add3A_4, %dma_start3A_98] : memref<64x1536xf32, #tpu.memory_space<hbm>> -> memref<1x1536xf32, #tpu.memory_space<hbm>>
      %dma_start3A_100 = tpu.memref_squeeze %dma_start3A_99 : memref<1x1536xf32, #tpu.memory_space<hbm>> -> memref<1536xf32, #tpu.memory_space<hbm>>
      tpu.enqueue_dma source(%arg7 : memref<1536xf32, #tpu.memory_space<vmem>>) target(%dma_start3A_100 : memref<1536xf32, #tpu.memory_space<hbm>>) target_semaphore(%run_scoped3A : memref<!tpu.dma_semaphore, #tpu.memory_space<semaphore_mem>>)
      %dma_wait3A = arith.constant 0 : i32
      %dma_wait3A_101 = tpu.memref_slice %arg3[%add3A_4, %dma_wait3A] : memref<64x1536xf32, #tpu.memory_space<hbm>> -> memref<1x1536xf32, #tpu.memory_space<hbm>>
      %dma_wait3A_102 = tpu.memref_squeeze %dma_wait3A_101 : memref<1x1536xf32, #tpu.memory_space<hbm>> -> memref<1536xf32, #tpu.memory_space<hbm>>
      %dma_wait3A_103 = arith.constant 0 : i32
      %dma_wait3A_104 = tpu.memref_slice %arg3[%add3A_4, %dma_wait3A_103] : memref<64x1536xf32, #tpu.memory_space<hbm>> -> memref<1x1536xf32, #tpu.memory_space<hbm>>
      %dma_wait3A_105 = tpu.memref_squeeze %dma_wait3A_104 : memref<1x1536xf32, #tpu.memory_space<hbm>> -> memref<1536xf32, #tpu.memory_space<hbm>>
      tpu.wait_dma2 semaphore(%run_scoped3A : memref<!tpu.dma_semaphore, #tpu.memory_space<semaphore_mem>>) src(%arg7 : memref<1536xf32, #tpu.memory_space<vmem>>) dst(%dma_wait3A_105 : memref<1536xf32, #tpu.memory_space<hbm>>)
      tpu.yield
    }) : () -> ()
    "tpu.region"() ({
      %run_scoped3A = tpu.sem_alloc : memref<!tpu.dma_semaphore, #tpu.memory_space<semaphore_mem>>
      %dma_start3A = arith.constant 0 : i32
      %dma_start3A_96 = tpu.memref_slice %arg4[%add3A_4, %dma_start3A] : memref<64x512xi32, #tpu.memory_space<hbm>> -> memref<1x512xi32, #tpu.memory_space<hbm>>
      %dma_start3A_97 = tpu.memref_squeeze %dma_start3A_96 : memref<1x512xi32, #tpu.memory_space<hbm>> -> memref<512xi32, #tpu.memory_space<hbm>>
      %dma_start3A_98 = arith.constant 0 : i32
      %dma_start3A_99 = tpu.memref_slice %arg4[%add3A_4, %dma_start3A_98] : memref<64x512xi32, #tpu.memory_space<hbm>> -> memref<1x512xi32, #tpu.memory_space<hbm>>
      %dma_start3A_100 = tpu.memref_squeeze %dma_start3A_99 : memref<1x512xi32, #tpu.memory_space<hbm>> -> memref<512xi32, #tpu.memory_space<hbm>>
      tpu.enqueue_dma source(%arg8 : memref<512xi32, #tpu.memory_space<vmem>>) target(%dma_start3A_100 : memref<512xi32, #tpu.memory_space<hbm>>) target_semaphore(%run_scoped3A : memref<!tpu.dma_semaphore, #tpu.memory_space<semaphore_mem>>)
      %dma_wait3A = arith.constant 0 : i32
      %dma_wait3A_101 = tpu.memref_slice %arg4[%add3A_4, %dma_wait3A] : memref<64x512xi32, #tpu.memory_space<hbm>> -> memref<1x512xi32, #tpu.memory_space<hbm>>
      %dma_wait3A_102 = tpu.memref_squeeze %dma_wait3A_101 : memref<1x512xi32, #tpu.memory_space<hbm>> -> memref<512xi32, #tpu.memory_space<hbm>>
      %dma_wait3A_103 = arith.constant 0 : i32
      %dma_wait3A_104 = tpu.memref_slice %arg4[%add3A_4, %dma_wait3A_103] : memref<64x512xi32, #tpu.memory_space<hbm>> -> memref<1x512xi32, #tpu.memory_space<hbm>>
      %dma_wait3A_105 = tpu.memref_squeeze %dma_wait3A_104 : memref<1x512xi32, #tpu.memory_space<hbm>> -> memref<512xi32, #tpu.memory_space<hbm>>
      tpu.wait_dma2 semaphore(%run_scoped3A : memref<!tpu.dma_semaphore, #tpu.memory_space<semaphore_mem>>) src(%arg8 : memref<512xi32, #tpu.memory_space<vmem>>) dst(%dma_wait3A_105 : memref<512xi32, #tpu.memory_space<hbm>>)
      tpu.yield
    }) : () -> ()
    %mul3A_44 = arith.constant 2 : i32
    %mul3A_45 = arith.muli %add3A, %mul3A_44 : i32
    %add3A_46 = arith.constant 1 : i32
    %add3A_47 = arith.addi %mul3A_45, %add3A_46 : i32
    "tpu.region"() ({
      %run_scoped3A = tpu.sem_alloc : memref<!tpu.dma_semaphore, #tpu.memory_space<semaphore_mem>>
      %dma_start3A = arith.constant 0 : i32
      %dma_start3A_96 = tpu.memref_slice %arg2[%add3A_47, %dma_start3A] : memref<64x6144xf32, #tpu.memory_space<hbm>> -> memref<1x6144xf32, #tpu.memory_space<hbm>>
      %dma_start3A_97 = tpu.memref_squeeze %dma_start3A_96 : memref<1x6144xf32, #tpu.memory_space<hbm>> -> memref<6144xf32, #tpu.memory_space<hbm>>
      %dma_start3A_98 = arith.constant 0 : i32
      %dma_start3A_99 = tpu.memref_slice %arg2[%add3A_47, %dma_start3A_98] : memref<64x6144xf32, #tpu.memory_space<hbm>> -> memref<1x6144xf32, #tpu.memory_space<hbm>>
      %dma_start3A_100 = tpu.memref_squeeze %dma_start3A_99 : memref<1x6144xf32, #tpu.memory_space<hbm>> -> memref<6144xf32, #tpu.memory_space<hbm>>
      tpu.enqueue_dma source(%dma_start3A_100 : memref<6144xf32, #tpu.memory_space<hbm>>) target(%arg5 : memref<6144xf32, #tpu.memory_space<vmem>>) target_semaphore(%run_scoped3A : memref<!tpu.dma_semaphore, #tpu.memory_space<semaphore_mem>>)
      %dma_wait3A = arith.constant 0 : i32
      %dma_wait3A_101 = tpu.memref_slice %arg2[%add3A_47, %dma_wait3A] : memref<64x6144xf32, #tpu.memory_space<hbm>> -> memref<1x6144xf32, #tpu.memory_space<hbm>>
      %dma_wait3A_102 = tpu.memref_squeeze %dma_wait3A_101 : memref<1x6144xf32, #tpu.memory_space<hbm>> -> memref<6144xf32, #tpu.memory_space<hbm>>
      %dma_wait3A_103 = arith.constant 0 : i32
      %dma_wait3A_104 = tpu.memref_slice %arg2[%add3A_47, %dma_wait3A_103] : memref<64x6144xf32, #tpu.memory_space<hbm>> -> memref<1x6144xf32, #tpu.memory_space<hbm>>
      %dma_wait3A_105 = tpu.memref_squeeze %dma_wait3A_104 : memref<1x6144xf32, #tpu.memory_space<hbm>> -> memref<6144xf32, #tpu.memory_space<hbm>>
      tpu.wait_dma2 semaphore(%run_scoped3A : memref<!tpu.dma_semaphore, #tpu.memory_space<semaphore_mem>>) src(%dma_wait3A_105 : memref<6144xf32, #tpu.memory_space<hbm>>) dst(%arg5 : memref<6144xf32, #tpu.memory_space<vmem>>)
      tpu.yield
    }) : () -> ()
    %broadcast_in_dim3A_48 = arith.constant 0x7F800000 : f32
    %broadcast_in_dim3A_49 = vector.broadcast %broadcast_in_dim3A_48 : f32 to vector<16xf32>
    %iota3A_50 = tpu.iota {dimensions = array<i32: 0>} : vector<16xi32>
    %eq3A_51 = arith.constant 0 : i32
    %eq3A_52 = vector.broadcast %eq3A_51 : i32 to vector<16xi32>
    %eq3A_53 = arith.cmpi eq, %iota3A_50, %eq3A_52 : vector<16xi32>
    %broadcast_in_dim3A_54 = arith.constant 0 : i32
    %broadcast_in_dim3A_55 = vector.broadcast %broadcast_in_dim3A_54 : i32 to vector<16xi32>
    %broadcast_in_dim3A_56 = arith.constant 0xFF800000 : f32
    %broadcast_in_dim3A_57 = vector.broadcast %broadcast_in_dim3A_56 : f32 to vector<16xf32>
    %broadcast_in_dim3A_58 = arith.constant 2147483647 : i32
    %broadcast_in_dim3A_59 = vector.broadcast %broadcast_in_dim3A_58 : i32 to vector<16xi32>
    %scan3A_60 = arith.constant 0 : i32
    %scan3A_61 = arith.constant 0 : i32
    %scan3A_62 = arith.constant 128 : i32
    %scan3A_63 = arith.addi %scan3A_61, %scan3A_62 : i32
    %scan3A_64 = arith.constant 1 : i32
    scf.for %scan3A_96 = %scan3A_61 to %scan3A_63 step %scan3A_64  : i32 {
      %mul3A_97 = arith.constant 16 : i32
      %mul3A_98 = arith.muli %scan3A_96, %mul3A_97 : i32
      %swap3A = arith.index_cast %mul3A_98 : i32 to index
      %swap3A_99 = tpu.vector_load %arg6[%swap3A] {strides = array<i32>} : memref<2048xf32, #tpu.memory_space<vmem>>, vector<16xf32>,
      tpu.vector_store %arg6[%swap3A], %broadcast_in_dim3A_49 {strides = array<i32>} : memref<2048xf32, #tpu.memory_space<vmem>>, vector<16xf32>,
    }
    %scan3A_65 = arith.constant 128 : i32
    %convert_element_type3A_66 = arith.sitofp %broadcast_in_dim3A_55 : vector<16xi32> to vector<16xf32>
    %get3A_67 = arith.constant 0 : index
    %get3A_68 = tpu.vector_load %arg5[%get3A_67] {strides = array<i32>} : memref<6144xf32, #tpu.memory_space<vmem>>, vector<16xf32>,
    %slice3A_69 = vector.extract_strided_slice %get3A_68 {offsets = [0], sizes = [1], strides = [1]} : vector<16xf32> to vector<1xf32>
    %squeeze3A_70 = vector.extract %slice3A_69[0] : f32 from vector<1xf32>
    %add3A_71 = vector.broadcast %squeeze3A_70 : f32 to vector<16xf32>
    %add3A_72 = arith.addf %convert_element_type3A_66, %add3A_71 : vector<16xf32>
    %convert_element_type3A_73 = arith.sitofp %broadcast_in_dim3A_55 : vector<16xi32> to vector<16xf32>
    %get3A_74 = arith.constant 2048 : index
    %get3A_75 = tpu.vector_load %arg5[%get3A_74] {strides = array<i32>} : memref<6144xf32, #tpu.memory_space<vmem>>, vector<16xf32>,
    %slice3A_76 = vector.extract_strided_slice %get3A_75 {offsets = [0], sizes = [1], strides = [1]} : vector<16xf32> to vector<1xf32>
    %squeeze3A_77 = vector.extract %slice3A_76[0] : f32 from vector<1xf32>
    %add3A_78 = vector.broadcast %squeeze3A_77 : f32 to vector<16xf32>
    %add3A_79 = arith.addf %convert_element_type3A_73, %add3A_78 : vector<16xf32>
    %convert_element_type3A_80 = arith.sitofp %broadcast_in_dim3A_55 : vector<16xi32> to vector<16xf32>
    %get3A_81 = arith.constant 4096 : index
    %get3A_82 = tpu.vector_load %arg5[%get3A_81] {strides = array<i32>} : memref<6144xf32, #tpu.memory_space<vmem>>, vector<16xf32>,
    %slice3A_83 = vector.extract_strided_slice %get3A_82 {offsets = [0], sizes = [1], strides = [1]} : vector<16xf32> to vector<1xf32>
    %squeeze3A_84 = vector.extract %slice3A_83[0] : f32 from vector<1xf32>
    %add3A_85 = vector.broadcast %squeeze3A_84 : f32 to vector<16xf32>
    %add3A_86 = arith.addf %convert_element_type3A_80, %add3A_85 : vector<16xf32>
    tpu.vector_store_idx %arg8[%broadcast_in_dim3A_55], %broadcast_in_dim3A_55 masked %eq3A_53 : memref<512xi32, #tpu.memory_space<vmem>>[vector<16xi32>], vector<16xi32>, vector<16xi1>
    %scan3A_87 = arith.constant 1 : i32
    %scan3A_88 = arith.constant 511 : i32
    %scan3A_89 = arith.addi %scan3A_87, %scan3A_88 : i32
    %scan3A_90 = arith.constant 1 : i32
    %scan3A_91:3 = scf.for %scan3A_96 = %scan3A_87 to %scan3A_89 step %scan3A_90 iter_args(%scan3A_97 = %add3A_72, %scan3A_98 = %add3A_79, %scan3A_99 = %add3A_86) -> (vector<16xf32>, vector<16xf32>, vector<16xf32>)  : i32 {
      %parallel_loop3A_100 = arith.constant 0 : i32
      %parallel_loop3A_101 = arith.constant 128 : i32
      %parallel_loop3A_102 = arith.constant 2 : i32
      %parallel_loop3A_103:4 = scf.for %parallel_loop3A_131 = %parallel_loop3A_100 to %parallel_loop3A_101 step %parallel_loop3A_102 iter_args(%parallel_loop3A_132 = %broadcast_in_dim3A_57, %parallel_loop3A_133 = %broadcast_in_dim3A_55, %parallel_loop3A_134 = %broadcast_in_dim3A_57, %parallel_loop3A_135 = %broadcast_in_dim3A_55) -> (vector<16xf32>, vector<16xi32>, vector<16xf32>, vector<16xi32>)  : i32 {
        %parallel_loop3A_136 = arith.constant 16 : i32
        %parallel_loop3A_137 = arith.muli %parallel_loop3A_131, %parallel_loop3A_136 : i32
        %parallel_loop3A_138 = arith.index_cast %parallel_loop3A_137 : i32 to index
        %parallel_loop3A_139 = tpu.vector_load %arg5[%parallel_loop3A_138] {strides = array<i32>} : memref<6144xf32, #tpu.memory_space<vmem>>, vector<16xf32>,
        %parallel_loop3A_140 = arith.subf %parallel_loop3A_139, %scan3A_97 : vector<16xf32>
        %parallel_loop3A_141 = arith.constant 2048 : i32
        %parallel_loop3A_142 = arith.addi %parallel_loop3A_137, %parallel_loop3A_141 : i32
        %parallel_loop3A_143 = arith.index_cast %parallel_loop3A_142 : i32 to index
        %parallel_loop3A_144 = tpu.vector_load %arg5[%parallel_loop3A_143] {strides = array<i32>} : memref<6144xf32, #tpu.memory_space<vmem>>, vector<16xf32>,
        %parallel_loop3A_145 = arith.subf %parallel_loop3A_144, %scan3A_98 : vector<16xf32>
        %parallel_loop3A_146 = arith.constant 4096 : i32
        %parallel_loop3A_147 = arith.addi %parallel_loop3A_137, %parallel_loop3A_146 : i32
        %parallel_loop3A_148 = arith.index_cast %parallel_loop3A_147 : i32 to index
        %parallel_loop3A_149 = tpu.vector_load %arg5[%parallel_loop3A_148] {strides = array<i32>} : memref<6144xf32, #tpu.memory_space<vmem>>, vector<16xf32>,
        %parallel_loop3A_150 = arith.subf %parallel_loop3A_149, %scan3A_99 : vector<16xf32>
        %parallel_loop3A_151 = arith.mulf %parallel_loop3A_140, %parallel_loop3A_140 : vector<16xf32>
        %parallel_loop3A_152 = arith.mulf %parallel_loop3A_145, %parallel_loop3A_145 : vector<16xf32>
        %parallel_loop3A_153 = arith.mulf %parallel_loop3A_150, %parallel_loop3A_150 : vector<16xf32>
        %parallel_loop3A_154 = arith.addf %parallel_loop3A_152, %parallel_loop3A_153 : vector<16xf32>
        %parallel_loop3A_155 = arith.addf %parallel_loop3A_151, %parallel_loop3A_154 : vector<16xf32>
        %parallel_loop3A_156 = arith.index_cast %parallel_loop3A_137 : i32 to index
        %parallel_loop3A_157 = tpu.vector_load %arg6[%parallel_loop3A_156] {strides = array<i32>} : memref<2048xf32, #tpu.memory_space<vmem>>, vector<16xf32>,
        %parallel_loop3A_158 = arith.minimumf %parallel_loop3A_157, %parallel_loop3A_155 : vector<16xf32>
        %parallel_loop3A_159 = arith.index_cast %parallel_loop3A_137 : i32 to index
        %parallel_loop3A_160 = tpu.vector_load %arg6[%parallel_loop3A_159] {strides = array<i32>} : memref<2048xf32, #tpu.memory_space<vmem>>, vector<16xf32>,
        tpu.vector_store %arg6[%parallel_loop3A_159], %parallel_loop3A_158 {strides = array<i32>} : memref<2048xf32, #tpu.memory_space<vmem>>, vector<16xf32>,
        %parallel_loop3A_161 = vector.broadcast %parallel_loop3A_137 : i32 to vector<16xi32>
        %parallel_loop3A_162 = arith.addi %parallel_loop3A_161, %iota3A_50 : vector<16xi32>
        %parallel_loop3A_163 = arith.cmpf ogt, %parallel_loop3A_158, %parallel_loop3A_132 : vector<16xf32>
        %parallel_loop3A_164 = arith.cmpf oeq, %parallel_loop3A_158, %parallel_loop3A_132 : vector<16xf32>
        %parallel_loop3A_165 = arith.cmpi slt, %parallel_loop3A_162, %parallel_loop3A_133 : vector<16xi32>
        %parallel_loop3A_166 = arith.andi %parallel_loop3A_164, %parallel_loop3A_165 : vector<16xi1>
        %parallel_loop3A_167 = arith.ori %parallel_loop3A_163, %parallel_loop3A_166 : vector<16xi1>
        %parallel_loop3A_168 = arith.select %parallel_loop3A_167, %parallel_loop3A_158, %parallel_loop3A_132 : vector<16xi1>, vector<16xf32>
        %parallel_loop3A_169 = arith.select %parallel_loop3A_167, %parallel_loop3A_162, %parallel_loop3A_133 : vector<16xi1>, vector<16xi32>
        %parallel_loop3A_170 = arith.constant 16 : i32
        %parallel_loop3A_171 = arith.muli %parallel_loop3A_131, %parallel_loop3A_170 : i32
        %parallel_loop3A_172 = arith.constant 16 : i32
        %parallel_loop3A_173 = arith.addi %parallel_loop3A_171, %parallel_loop3A_172 : i32
        %parallel_loop3A_174 = arith.index_cast %parallel_loop3A_173 : i32 to index
        %parallel_loop3A_175 = tpu.vector_load %arg5[%parallel_loop3A_174] {strides = array<i32>} : memref<6144xf32, #tpu.memory_space<vmem>>, vector<16xf32>,
        %parallel_loop3A_176 = arith.subf %parallel_loop3A_175, %scan3A_97 : vector<16xf32>
        %parallel_loop3A_177 = arith.constant 2048 : i32
        %parallel_loop3A_178 = arith.addi %parallel_loop3A_173, %parallel_loop3A_177 : i32
        %parallel_loop3A_179 = arith.index_cast %parallel_loop3A_178 : i32 to index
        %parallel_loop3A_180 = tpu.vector_load %arg5[%parallel_loop3A_179] {strides = array<i32>} : memref<6144xf32, #tpu.memory_space<vmem>>, vector<16xf32>,
        %parallel_loop3A_181 = arith.subf %parallel_loop3A_180, %scan3A_98 : vector<16xf32>
        %parallel_loop3A_182 = arith.constant 4096 : i32
        %parallel_loop3A_183 = arith.addi %parallel_loop3A_173, %parallel_loop3A_182 : i32
        %parallel_loop3A_184 = arith.index_cast %parallel_loop3A_183 : i32 to index
        %parallel_loop3A_185 = tpu.vector_load %arg5[%parallel_loop3A_184] {strides = array<i32>} : memref<6144xf32, #tpu.memory_space<vmem>>, vector<16xf32>,
        %parallel_loop3A_186 = arith.subf %parallel_loop3A_185, %scan3A_99 : vector<16xf32>
        %parallel_loop3A_187 = arith.mulf %parallel_loop3A_176, %parallel_loop3A_176 : vector<16xf32>
        %parallel_loop3A_188 = arith.mulf %parallel_loop3A_181, %parallel_loop3A_181 : vector<16xf32>
        %parallel_loop3A_189 = arith.mulf %parallel_loop3A_186, %parallel_loop3A_186 : vector<16xf32>
        %parallel_loop3A_190 = arith.addf %parallel_loop3A_188, %parallel_loop3A_189 : vector<16xf32>
        %parallel_loop3A_191 = arith.addf %parallel_loop3A_187, %parallel_loop3A_190 : vector<16xf32>
        %parallel_loop3A_192 = arith.index_cast %parallel_loop3A_173 : i32 to index
        %parallel_loop3A_193 = tpu.vector_load %arg6[%parallel_loop3A_192] {strides = array<i32>} : memref<2048xf32, #tpu.memory_space<vmem>>, vector<16xf32>,
        %parallel_loop3A_194 = arith.minimumf %parallel_loop3A_193, %parallel_loop3A_191 : vector<16xf32>
        %parallel_loop3A_195 = arith.index_cast %parallel_loop3A_173 : i32 to index
        %parallel_loop3A_196 = tpu.vector_load %arg6[%parallel_loop3A_195] {strides = array<i32>} : memref<2048xf32, #tpu.memory_space<vmem>>, vector<16xf32>,
        tpu.vector_store %arg6[%parallel_loop3A_195], %parallel_loop3A_194 {strides = array<i32>} : memref<2048xf32, #tpu.memory_space<vmem>>, vector<16xf32>,
        %parallel_loop3A_197 = vector.broadcast %parallel_loop3A_173 : i32 to vector<16xi32>
        %parallel_loop3A_198 = arith.addi %parallel_loop3A_197, %iota3A_50 : vector<16xi32>
        %parallel_loop3A_199 = arith.cmpf ogt, %parallel_loop3A_194, %parallel_loop3A_134 : vector<16xf32>
        %parallel_loop3A_200 = arith.cmpf oeq, %parallel_loop3A_194, %parallel_loop3A_134 : vector<16xf32>
        %parallel_loop3A_201 = arith.cmpi slt, %parallel_loop3A_198, %parallel_loop3A_135 : vector<16xi32>
        %parallel_loop3A_202 = arith.andi %parallel_loop3A_200, %parallel_loop3A_201 : vector<16xi1>
        %parallel_loop3A_203 = arith.ori %parallel_loop3A_199, %parallel_loop3A_202 : vector<16xi1>
        %parallel_loop3A_204 = arith.select %parallel_loop3A_203, %parallel_loop3A_194, %parallel_loop3A_134 : vector<16xi1>, vector<16xf32>
        %parallel_loop3A_205 = arith.select %parallel_loop3A_203, %parallel_loop3A_198, %parallel_loop3A_135 : vector<16xi1>, vector<16xi32>
        scf.yield %parallel_loop3A_168, %parallel_loop3A_169, %parallel_loop3A_204, %parallel_loop3A_205 : vector<16xf32>, vector<16xi32>, vector<16xf32>, vector<16xi32>
      } {sc.loop_unroll_factor = 4 : i64, sc.parallel_access}
      %gt3A = arith.cmpf ogt, %parallel_loop3A_103#2, %parallel_loop3A_103#0 : vector<16xf32>
      %eq3A_104 = arith.cmpf oeq, %parallel_loop3A_103#2, %parallel_loop3A_103#0 : vector<16xf32>
      %lt3A = arith.cmpi slt, %parallel_loop3A_103#3, %parallel_loop3A_103#1 : vector<16xi32>
      %and3A = arith.andi %eq3A_104, %lt3A : vector<16xi1>
      %or3A = arith.ori %gt3A, %and3A : vector<16xi1>
      %select_n3A = arith.select %or3A, %parallel_loop3A_103#2, %parallel_loop3A_103#0 : vector<16xi1>, vector<16xf32>
      %select_n3A_105 = arith.select %or3A, %parallel_loop3A_103#3, %parallel_loop3A_103#1 : vector<16xi1>, vector<16xi32>
      %reduce_max3A = arith.constant true
      %reduce_max3A_106 = vector.broadcast %reduce_max3A : i1 to vector<16xi1>
      %reduce_max3A_107 = tpu.scan <max>, %select_n3A masked %reduce_max3A_106 : vector<16xf32>, vector<16xi1> -> vector<16xf32>
      %reduce_max3A_108 = vector.extract %reduce_max3A_107[15] : f32 from vector<16xf32>
      %eq3A_109 = vector.broadcast %reduce_max3A_108 : f32 to vector<16xf32>
      %eq3A_110 = arith.cmpf oeq, %select_n3A, %eq3A_109 : vector<16xf32>
      %select_n3A_111 = arith.select %eq3A_110, %select_n3A_105, %broadcast_in_dim3A_59 : vector<16xi1>, vector<16xi32>
      %reduce_min3A = arith.constant true
      %reduce_min3A_112 = vector.broadcast %reduce_min3A : i1 to vector<16xi1>
      %reduce_min3A_113 = arith.constant -2147483648 : i32
      %reduce_min3A_114 = vector.broadcast %reduce_min3A_113 : i32 to vector<16xi32>
      %reduce_min3A_115 = arith.xori %select_n3A_111, %reduce_min3A_114 : vector<16xi32>
      %reduce_min3A_116 = tpu.scan <min>, %reduce_min3A_115 masked %reduce_min3A_112 : vector<16xi32>, vector<16xi1> -> vector<16xi32>
      %reduce_min3A_117 = arith.xori %reduce_min3A_116, %reduce_min3A_114 : vector<16xi32>
      %reduce_min3A_118 = vector.extract %reduce_min3A_117[15] : i32 from vector<16xi32>
      %add3A_119 = vector.broadcast %reduce_min3A_118 : i32 to vector<16xi32>
      %add3A_120 = arith.addi %broadcast_in_dim3A_55, %add3A_119 : vector<16xi32>
      %add3A_121 = vector.broadcast %scan3A_96 : i32 to vector<16xi32>
      %add3A_122 = arith.addi %broadcast_in_dim3A_55, %add3A_121 : vector<16xi32>
      tpu.vector_store_idx %arg8[%add3A_122], %add3A_120 masked %eq3A_53 : memref<512xi32, #tpu.memory_space<vmem>>[vector<16xi32>], vector<16xi32>, vector<16xi1>
      %gather3A = tpu.vector_load_idx %arg5[%add3A_120] : memref<6144xf32, #tpu.memory_space<vmem>>[vector<16xi32>], vector<16xf32>,
      %add3A_123 = arith.constant 2048 : i32
      %add3A_124 = vector.broadcast %add3A_123 : i32 to vector<16xi32>
      %add3A_125 = arith.addi %add3A_120, %add3A_124 : vector<16xi32>
      %gather3A_126 = tpu.vector_load_idx %arg5[%add3A_125] : memref<6144xf32, #tpu.memory_space<vmem>>[vector<16xi32>], vector<16xf32>,
      %add3A_127 = arith.constant 4096 : i32
      %add3A_128 = vector.broadcast %add3A_127 : i32 to vector<16xi32>
      %add3A_129 = arith.addi %add3A_120, %add3A_128 : vector<16xi32>
      %gather3A_130 = tpu.vector_load_idx %arg5[%add3A_129] : memref<6144xf32, #tpu.memory_space<vmem>>[vector<16xi32>], vector<16xf32>,
      scf.yield %gather3A, %gather3A_126, %gather3A_130 : vector<16xf32>, vector<16xf32>, vector<16xf32>
    }
    %scan3A_92 = arith.constant 511 : i32
    %parallel_loop3A_93 = arith.constant 0 : i32
    %parallel_loop3A_94 = arith.constant 32 : i32
    %parallel_loop3A_95 = arith.constant 1 : i32
    scf.for %parallel_loop3A_96 = %parallel_loop3A_93 to %parallel_loop3A_94 step %parallel_loop3A_95  : i32 {
      %parallel_loop3A_97 = arith.constant 16 : i32
      %parallel_loop3A_98 = arith.muli %parallel_loop3A_96, %parallel_loop3A_97 : i32
      %parallel_loop3A_99 = arith.index_cast %parallel_loop3A_98 : i32 to index
      %parallel_loop3A_100 = tpu.vector_load %arg8[%parallel_loop3A_99] {strides = array<i32>} : memref<512xi32, #tpu.memory_space<vmem>>, vector<16xi32>,
      %parallel_loop3A_101 = tpu.vector_load_idx %arg5[%parallel_loop3A_100] : memref<6144xf32, #tpu.memory_space<vmem>>[vector<16xi32>], vector<16xf32>,
      %parallel_loop3A_102 = arith.index_cast %parallel_loop3A_98 : i32 to index
      %parallel_loop3A_103 = tpu.vector_load %arg7[%parallel_loop3A_102] {strides = array<i32>} : memref<1536xf32, #tpu.memory_space<vmem>>, vector<16xf32>,
      tpu.vector_store %arg7[%parallel_loop3A_102], %parallel_loop3A_101 {strides = array<i32>} : memref<1536xf32, #tpu.memory_space<vmem>>, vector<16xf32>,
      %parallel_loop3A_104 = arith.constant 2048 : i32
      %parallel_loop3A_105 = vector.broadcast %parallel_loop3A_104 : i32 to vector<16xi32>
      %parallel_loop3A_106 = arith.addi %parallel_loop3A_100, %parallel_loop3A_105 : vector<16xi32>
      %parallel_loop3A_107 = tpu.vector_load_idx %arg5[%parallel_loop3A_106] : memref<6144xf32, #tpu.memory_space<vmem>>[vector<16xi32>], vector<16xf32>,
      %parallel_loop3A_108 = arith.constant 512 : i32
      %parallel_loop3A_109 = arith.addi %parallel_loop3A_98, %parallel_loop3A_108 : i32
      %parallel_loop3A_110 = arith.index_cast %parallel_loop3A_109 : i32 to index
      %parallel_loop3A_111 = tpu.vector_load %arg7[%parallel_loop3A_110] {strides = array<i32>} : memref<1536xf32, #tpu.memory_space<vmem>>, vector<16xf32>,
      tpu.vector_store %arg7[%parallel_loop3A_110], %parallel_loop3A_107 {strides = array<i32>} : memref<1536xf32, #tpu.memory_space<vmem>>, vector<16xf32>,
      %parallel_loop3A_112 = arith.constant 4096 : i32
      %parallel_loop3A_113 = vector.broadcast %parallel_loop3A_112 : i32 to vector<16xi32>
      %parallel_loop3A_114 = arith.addi %parallel_loop3A_100, %parallel_loop3A_113 : vector<16xi32>
      %parallel_loop3A_115 = tpu.vector_load_idx %arg5[%parallel_loop3A_114] : memref<6144xf32, #tpu.memory_space<vmem>>[vector<16xi32>], vector<16xf32>,
      %parallel_loop3A_116 = arith.constant 1024 : i32
      %parallel_loop3A_117 = arith.addi %parallel_loop3A_98, %parallel_loop3A_116 : i32
      %parallel_loop3A_118 = arith.index_cast %parallel_loop3A_117 : i32 to index
      %parallel_loop3A_119 = tpu.vector_load %arg7[%parallel_loop3A_118] {strides = array<i32>} : memref<1536xf32, #tpu.memory_space<vmem>>, vector<16xf32>,
      tpu.vector_store %arg7[%parallel_loop3A_118], %parallel_loop3A_115 {strides = array<i32>} : memref<1536xf32, #tpu.memory_space<vmem>>, vector<16xf32>,
    } {sc.loop_unroll_factor = 4 : i64, sc.parallel_access}
    "tpu.region"() ({
      %run_scoped3A = tpu.sem_alloc : memref<!tpu.dma_semaphore, #tpu.memory_space<semaphore_mem>>
      %dma_start3A = arith.constant 0 : i32
      %dma_start3A_96 = tpu.memref_slice %arg3[%add3A_47, %dma_start3A] : memref<64x1536xf32, #tpu.memory_space<hbm>> -> memref<1x1536xf32, #tpu.memory_space<hbm>>
      %dma_start3A_97 = tpu.memref_squeeze %dma_start3A_96 : memref<1x1536xf32, #tpu.memory_space<hbm>> -> memref<1536xf32, #tpu.memory_space<hbm>>
      %dma_start3A_98 = arith.constant 0 : i32
      %dma_start3A_99 = tpu.memref_slice %arg3[%add3A_47, %dma_start3A_98] : memref<64x1536xf32, #tpu.memory_space<hbm>> -> memref<1x1536xf32, #tpu.memory_space<hbm>>
      %dma_start3A_100 = tpu.memref_squeeze %dma_start3A_99 : memref<1x1536xf32, #tpu.memory_space<hbm>> -> memref<1536xf32, #tpu.memory_space<hbm>>
      tpu.enqueue_dma source(%arg7 : memref<1536xf32, #tpu.memory_space<vmem>>) target(%dma_start3A_100 : memref<1536xf32, #tpu.memory_space<hbm>>) target_semaphore(%run_scoped3A : memref<!tpu.dma_semaphore, #tpu.memory_space<semaphore_mem>>)
      %dma_wait3A = arith.constant 0 : i32
      %dma_wait3A_101 = tpu.memref_slice %arg3[%add3A_47, %dma_wait3A] : memref<64x1536xf32, #tpu.memory_space<hbm>> -> memref<1x1536xf32, #tpu.memory_space<hbm>>
      %dma_wait3A_102 = tpu.memref_squeeze %dma_wait3A_101 : memref<1x1536xf32, #tpu.memory_space<hbm>> -> memref<1536xf32, #tpu.memory_space<hbm>>
      %dma_wait3A_103 = arith.constant 0 : i32
      %dma_wait3A_104 = tpu.memref_slice %arg3[%add3A_47, %dma_wait3A_103] : memref<64x1536xf32, #tpu.memory_space<hbm>> -> memref<1x1536xf32, #tpu.memory_space<hbm>>
      %dma_wait3A_105 = tpu.memref_squeeze %dma_wait3A_104 : memref<1x1536xf32, #tpu.memory_space<hbm>> -> memref<1536xf32, #tpu.memory_space<hbm>>
      tpu.wait_dma2 semaphore(%run_scoped3A : memref<!tpu.dma_semaphore, #tpu.memory_space<semaphore_mem>>) src(%arg7 : memref<1536xf32, #tpu.memory_space<vmem>>) dst(%dma_wait3A_105 : memref<1536xf32, #tpu.memory_space<hbm>>)
      tpu.yield
    }) : () -> ()
    "tpu.region"() ({
      %run_scoped3A = tpu.sem_alloc : memref<!tpu.dma_semaphore, #tpu.memory_space<semaphore_mem>>
      %dma_start3A = arith.constant 0 : i32
      %dma_start3A_96 = tpu.memref_slice %arg4[%add3A_47, %dma_start3A] : memref<64x512xi32, #tpu.memory_space<hbm>> -> memref<1x512xi32, #tpu.memory_space<hbm>>
      %dma_start3A_97 = tpu.memref_squeeze %dma_start3A_96 : memref<1x512xi32, #tpu.memory_space<hbm>> -> memref<512xi32, #tpu.memory_space<hbm>>
      %dma_start3A_98 = arith.constant 0 : i32
      %dma_start3A_99 = tpu.memref_slice %arg4[%add3A_47, %dma_start3A_98] : memref<64x512xi32, #tpu.memory_space<hbm>> -> memref<1x512xi32, #tpu.memory_space<hbm>>
      %dma_start3A_100 = tpu.memref_squeeze %dma_start3A_99 : memref<1x512xi32, #tpu.memory_space<hbm>> -> memref<512xi32, #tpu.memory_space<hbm>>
      tpu.enqueue_dma source(%arg8 : memref<512xi32, #tpu.memory_space<vmem>>) target(%dma_start3A_100 : memref<512xi32, #tpu.memory_space<hbm>>) target_semaphore(%run_scoped3A : memref<!tpu.dma_semaphore, #tpu.memory_space<semaphore_mem>>)
      %dma_wait3A = arith.constant 0 : i32
      %dma_wait3A_101 = tpu.memref_slice %arg4[%add3A_47, %dma_wait3A] : memref<64x512xi32, #tpu.memory_space<hbm>> -> memref<1x512xi32, #tpu.memory_space<hbm>>
      %dma_wait3A_102 = tpu.memref_squeeze %dma_wait3A_101 : memref<1x512xi32, #tpu.memory_space<hbm>> -> memref<512xi32, #tpu.memory_space<hbm>>
      %dma_wait3A_103 = arith.constant 0 : i32
      %dma_wait3A_104 = tpu.memref_slice %arg4[%add3A_47, %dma_wait3A_103] : memref<64x512xi32, #tpu.memory_space<hbm>> -> memref<1x512xi32, #tpu.memory_space<hbm>>
      %dma_wait3A_105 = tpu.memref_squeeze %dma_wait3A_104 : memref<1x512xi32, #tpu.memory_space<hbm>> -> memref<512xi32, #tpu.memory_space<hbm>>
      tpu.wait_dma2 semaphore(%run_scoped3A : memref<!tpu.dma_semaphore, #tpu.memory_space<semaphore_mem>>) src(%arg8 : memref<512xi32, #tpu.memory_space<vmem>>) dst(%dma_wait3A_105 : memref<512xi32, #tpu.memory_space<hbm>>)
      tpu.yield
    }) : () -> ()
    return
  }
}

</mosaic_0001>

<sc_bundles>
// kernel: kernel.3.cloned.1.call-start
scs
__scs_entry_jumppad:
0x0: {  	(pc) =	sbr.rel $0x88, $3  }
0x1: {  	(tag) =	ssettag $0x0;
	lr =	simm.s32 $0x1  }
0x2: {  	[smem:$0x3FA0] =	sst lr;
	_ =	strace $0xD0000000  }
0x3: {  	_ = 	snop  }
0x4: {  	_ = 	snop  }
0x5: {  	_ = 	snop  }
0x6: {  	_ = 	snop  }
0x7: {  	_ = 	snop  }
__scs_overlays_trampoline_lowered:
0x8: {  	[smem:$0x3FAF] =	sst s0  }
0x9: {  	[smem:$0x3FB0] =	sst s1  }
0xa: {  	[smem:$0x3FB1] =	sst s2  }
0xb: {  	[smem:$0x3FB2] =	sst s3  }
0xc: {  	[smem:$0x3FB3] =	sst s4  }
0xd: {  	[smem:$0x3FB4] =	sst s5  }
0xe: {  	[smem:$0x3FB5] =	sst s6  }
0xf: {  	[smem:$0x3FB6] =	sst s7  }
0x10: {  	[smem:$0x3FB7] =	sst s8  }
0x11: {  	[smem:$0x3FB8] =	sst s9;
	s0 =	simm.s32 @!p0 $0x0  }
0x12: {  	s1 =	sld [smem:$0x3F9E];
	s0 =	simm.s32 @p0 $0x1  }
0x13: {  	[smem:$0x3FB9] =	sst s0;
	s0 =	simm.s32 @!p1 $0x0  }
0x14: {  	s2 =	sld [smem:$0x3F9D];
	s0 =	simm.s32 @p1 $0x1  }
0x15: {  	[smem:$0x3FBA] =	sst s0;
	s0 =	simm.s32 @!p2 $0x0  }
0x16: {  	s3 =	sld [smem:$0x3FDB];
	s0 =	simm.s32 @p2 $0x1  }
0x17: {  	s4 =	simm.s32 $0x1BF5;
	[smem:$0x3FBC] =	sst s0  }
0x18: {  	s0 =	sld [smem:$0x3F9F];
	_ =	swait.ge [sflag:s4], $0x0  }
0x19: {  	s7 =	sld [smem:$0x3FA0]  }
0x1a: {  	s8 =	sadd.s32 $0xFFFFE003, lr  }
0x1b: {  	s9 =	sadd.s32 $0xFFFFFEF7, lr;
	s5 =	simm.s32 $0xFFFFFFFF;
	p2 =	slt.u32 s8, $0xFFFFF086  }
0x1c: {  	p1 =	slt.u32 s9, $0xF7A;
	s5 =	simm.s32 @!p2 $0x0  }
0x1d: {  	s5 =	simm.s32 @p1 $0x1;
	p0 =	seq.s32 s7, s2  }
0x1e: {  	s7 =	smul.u32 @!p0 $0xF7A, s2;
	p2 =	seq.s32 @!p0 s5, $0x0  }
0x1f: {  	s9 =	smul.u32 $0xF7A, s1;
	s8 =	simm.s32 @!p0 $0x1BF5;
	p2 =	por !p2, p0  }
0x20: {  	[sflag:s8] =	ssyncset.s32 @!p0 $0xFFFFF086;
	s6 =	sadd.s32 @!p0 s3, s7;
	s7 =	simm.s32 @!p0 $0x108  }
0x21: {  	s3 =	sadd.s32 s3, s9;
	s6 =	sadd.s32 @!p0 $0x88, s6;
	s7 =	simm.s32 @p2 $0x1082  }
0x22: {  	[simem:s7], [sflag:s8] =	dma.local @!p0 [hbm:s6], $0xF7A  }
0x23: {  	s9 =	sor.u32 $0xD0000000, s2;
	s6 =	simm.s32 $0x108;
	_ =	swait.ge @!p0 [sflag:s8], $0x0  }
0x24: {  	s3 =	sadd.s32 $0x88, s3;
	s6 =	simm.s32 @!p1 $0x1082;
	[sflag:s4] =	ssyncset.s32 $0xFFFFF086  }
0x25: {  	[simem:s6], [sflag:s4] =	dma.local [hbm:s3], $0xF7A  }
0x26: {  	[smem:$0x3FA0] =	sst s1;
	(tag) =	ssettag s2;
	_ =	strace s9  }
0x27: {  	s1 =	sld [smem:$0x3FB0]  }
0x28: {  	s2 =	sld [smem:$0x3FB1]  }
0x29: {  	s4 =	sld [smem:$0x3FB3]  }
0x2a: {  	p0 =	seq.s32 s5, $0x0;
	s5 =	sld [smem:$0x3FB4]  }
0x2b: {  	s6 =	sld [smem:$0x3FB5]  }
0x2c: {  	s7 =	sld [smem:$0x3FB6]  }
0x2d: {  	s3 =	simm.s32 $0x108;
	s8 =	sld [smem:$0x3FB7]  }
0x2e: {  	s3 =	simm.s32 @!p0 $0x1082;
	s9 =	sld [smem:$0x3FB8]  }
0x2f: {  	lr =	sadd.s32 s0, s3;
	s0 =	sld [smem:$0x3FAF]  }
0x30: {  	s3 =	sld [smem:$0x3FB2]  }
0x31: {  	[smem:$0x3FBB] =	sst s10  }
0x32: {  	s10 =	sld [smem:$0x3FB9];
	_ =	sdelay $0x3  }
0x33: {  	p0 =	seq.s32 s10, $0x1;
	s10 =	sld [smem:$0x3FBB];
	_ =	sdelay $0x3  }
0x34: {  	[smem:$0x3FBB] =	sst s10  }
0x35: {  	s10 =	sld [smem:$0x3FBA];
	_ =	sdelay $0x3  }
0x36: {  	p1 =	seq.s32 s10, $0x1;
	s10 =	sld [smem:$0x3FBB];
	_ =	sdelay $0x3  }
0x37: {  	[smem:$0x3FBB] =	sst s10  }
0x38: {  	s10 =	sld [smem:$0x3FBC]  }
0x39: {  	_ = 	snop;
	(pc) =	sbr.ind lr, $3  }
0x3a: {  	_ = 	snop  }
0x3b: {  	_ = 	snop  }
0x3c: {  	p2 =	seq.s32 s10, $0x1;
	s10 =	sld [smem:$0x3FBB]  }
0x3d: {  	_ =	shalt  }
0x3e: {  	_ =	shalt  }
0x3f: {  	_ =	shalt  }
0x40: {  	_ =	shalt  }
0x41: {  	_ =	shalt  }
0x42: {  	_ =	shalt  }
0x43: {  	_ =	shalt  }
0x44: {  	_ =	shalt  }
0x45: {  	_ =	shalt  }
0x46: {  	_ =	shalt  }
0x47: {  	_ =	shalt  }
0x48: {  	_ =	shalt  }
0x49: {  	_ =	shalt  }
0x4a: {  	_ =	shalt  }
0x4b: {  	_ =	shalt  }
0x4c: {  	_ =	shalt  }
0x4d: {  	_ =	shalt  }
0x4e: {  	_ =	shalt  }
0x4f: {  	_ =	shalt  }
0x50: {  	_ =	shalt  }
0x51: {  	_ =	shalt  }
0x52: {  	_ =	shalt  }
0x53: {  	_ =	shalt  }
0x54: {  	_ =	shalt  }
0x55: {  	_ =	shalt  }
0x56: {  	_ =	shalt  }
0x57: {  	_ =	shalt  }
0x58: {  	_ =	shalt  }
0x59: {  	_ =	shalt  }
0x5a: {  	_ =	shalt  }
0x5b: {  	_ =	shalt  }
0x5c: {  	_ =	shalt  }
0x5d: {  	_ =	shalt  }
0x5e: {  	_ =	shalt  }
0x5f: {  	_ =	shalt  }
0x60: {  	_ =	shalt  }
0x61: {  	_ =	shalt  }
0x62: {  	_ =	shalt  }
0x63: {  	_ =	shalt  }
0x64: {  	_ =	shalt  }
0x65: {  	_ =	shalt  }
0x66: {  	_ =	shalt  }
0x67: {  	_ =	shalt  }
0x68: {  	_ =	shalt  }
0x69: {  	_ =	shalt  }
0x6a: {  	_ =	shalt  }
0x6b: {  	_ =	shalt  }
0x6c: {  	_ =	shalt  }
0x6d: {  	_ =	shalt  }
0x6e: {  	_ =	shalt  }
0x6f: {  	_ =	shalt  }
0x70: {  	_ =	shalt  }
0x71: {  	_ =	shalt  }
0x72: {  	_ =	shalt  }
0x73: {  	_ =	shalt  }
0x74: {  	_ =	shalt  }
0x75: {  	_ =	shalt  }
0x76: {  	_ =	shalt  }
0x77: {  	_ =	shalt  }
0x78: {  	_ =	shalt  }
0x79: {  	_ =	shalt  }
0x7a: {  	_ =	shalt  }
0x7b: {  	_ =	shalt  }
0x7c: {  	_ =	shalt  }
0x7d: {  	_ =	shalt  }
0x7e: {  	_ =	shalt  }
0x7f: {  	_ =	shalt  }
0x80: {  	_ =	shalt  }
0x81: {  	_ =	shalt  }
0x82: {  	_ =	shalt  }
0x83: {  	_ =	shalt  }
0x84: {  	_ =	shalt  }
0x85: {  	_ =	shalt  }
0x86: {  	_ =	shalt  }
0x87: {  	_ =	shalt  }
.Lfunc_end0:
.L_simem_size_0:
called_computation_lowered:
.L_overlay_start_0:
0x88: {  	s2 =	sld [smem:$0x3FD9]  }
0x89: {  	s3 =	sld [smem:$0x3FFE];
	_ =	sdelay $0x1  }
0x8a: {  	s1 =	srdreg.scid  }
0x8b: {  	s0 =	sand.u32 $0x1, s1  }
0x8c: {  	s14 =	sshll.u32 s0, $0xA;
	s2 =	sadd.s32 s3, s2  }
0x8d: {  	s2 =	sadd.s32 s2, s14  }
0x8e: {  	[smem:$0x3FC7] =	sst s2  }
0x8f: {  	_ = 	snop  }
0x90: {  	s2 =	sld [smem:$0x3FD0];
	_ =	sdelay $0x2  }
0x91: {  	s15 =	simm.s32 $0xA;
	s4 =	simm.s32 $0x10  }
0x92: {  	[smem:s4], [sflag:s15] =	dma.local [hbm:s2], $0x1  }
0x93: {  	_ =	swait.eq [sflag:s15], $0x1  }
0x94: {  	[sflag:s15] =	ssyncset.done $0x0  }
0x95: {  	s16 =	sld [smem:$0x10];
	[sflag:s15] =	ssyncadd.s32 $0xFFFFFFFF  }
0x96: {  	s17 =	sld [smem:$0x11];
	(tm) =	ssettm $0x1  }
0x97: {  	s18 =	sld [smem:$0x3FFB];
	_ =	sdelay $0x3  }
0x98: {  	_ =	strace s18  }
0x99: {  	s4 =	sld [smem:$0x3FFC];
	_ =	sdelay $0x3  }
0x9a: {  	_ =	strace s4  }
0x9b: {  	s4 =	sld [smem:$0x3FFD];
	_ =	sdelay $0x3  }
0x9c: {  	_ =	strace s4  }
0x9d: {  	_ =	strace $0x8FFFFFFF  }
0x9e: {  	s19 =	sld [smem:$0x3FDB];
	_ =	sdelay $0x1  }
0x9f: {  	s5 =	simm.s32 $_scs_section_size  }
0xa0: {  	s6 =	simm.s32 $_size__tile_overlayer_lowered;
	s7 =	simm.s32 $_tile_overlayer_lowered  }
0xa1: {  	s22 =	simm.s32 $0x1BFF;
	s21 =	sshll.u32 s7, $0x1;
	s4 =	sadd.s32 s5, s19  }
0xa2: {  	s8 =	simm.s32 $0x0;
	s20 =	sshll.u32 s6, $0x1;
	s6 =	sadd.s32 s21, s4  }
0xa3: {  	[timem:s8], [sflag:s22] =	dma.local [hbm:s6], s20  }
0xa4: {  	_ =	swait.ge [sflag:s22], s20  }
0xa5: {  	s5 =	ssub.s32 $0x0, s20;
	[sflag:s22] =	ssyncset.done $0x0  }
0xa6: {  	[sflag:s22] =	ssyncadd.s32 s5;
	_ =	sdelay $0x1  }
0xa7: {  	s23 =	simm.s32 $0x1B8B  }
0xa8: {  	_ =	swait.ge [sflag:s23], $0x1  }
0xa9: {  	[sflag:s23] =	ssyncset.done $0x0  }
0xaa: {  	s25 =	simm.s32 $0x1B8E;
	s24 =	sld [smem:$0x3FFE];
	[sflag:s23] =	ssyncadd.s32 $0xFFFFFFFF  }
0xab: {  	s26 =	simm.s32 $execute0_lowered;
	[smem:$0x3FD2] =	sst s25  }
0xac: {  	s6 =	sshll.u32 s26, $0x1;
	_ =	strace $0x80000046;
	[dreg:$0x1] =	wrdreg $0xFFFFFFFF  }
0xad: {  	s28 =	simm.s32 $_size_execute0_lowered;
	s4 =	sadd.s32 s4, s6;
	[dreg:$0x0] =	wrdreg $0x0  }
0xae: {  	s6 =	sshll.u32 s28, $0x1;
	[dreg:$0x2] =	wrdreg s4  }
0xaf: {  	[dreg:$0x3] =	wrdreg s6  }
0xb0: {  	[dreg:$0x4] =	wrdreg $0xC0  }
0xb1: {  	_ =	task [dreg:s8], $0x5FFFF  }
0xb2: {  	[dreg:$0x1] =	wrdreg $0xFFFFFFFF  }
0xb3: {  	[dreg:$0x0] =	wrdreg $0x60  }
0xb4: {  	[dreg:$0x2] =	wrdreg s24  }
0xb5: {  	[dreg:$0x3] =	wrdreg s16  }
0xb6: {  	[dreg:$0x4] =	wrdreg s17  }
0xb7: {  	[dreg:$0x5] =	wrdreg $0x9  }
0xb8: {  	_ =	task.clear_ibuf [dreg:s8], $0x6FFFF;
	_ =	strace $0x90000046  }
0xb9: {  	s29 =	simm.s32 $0x9;
	_ =	strace $0x80000048  }
0xba: {  	_ =	swait.ge [sflag:s29], $0x1  }
0xbb: {  	[sflag:s29] =	ssyncadd.s32 $0xFFFFFFFF  }
0xbc: {  	_ =	strace $0x90000048  }
0xbd: {  	_ =	sfence  }
0xbe: {  	s30 =	sld [smem:$0x0];
	_ =	sdelay $0x2  }
0xbf: {  	s31 =	sshll.u32 s1, $0xD;
	s1 =	sshrl.u32 s1, $0x2  }
0xc0: {  	s3 =	sand.u32 $0x4000, s31;
	s1 =	sadd.s32 s1, s30  }
0xc1: {  	s0 =	sor.u32 s3, s0;
	s1 =	sshll.u32 s1, $0x11  }
0xc2: {  	s0 =	sor.u32 s1, s0  }
0xc3: {  	s0 =	sadd.s32 $0x8F2B, s0  }
0xc4: {  	[sflag:s0] =	ssyncadd.remote.s32 $0x1  }
0xc5: {  	_ =	sfence.sel $0xFFFF  }
0xc6: {  	[dreg:$0x0] =	wrdreg $0xFFFFFFFF;
	(pc) =	sbr.abs _section_cstart, $3  }
0xc7: {  	[dreg:$0x1] =	wrdreg $0xFFFFFFFF  }
0xc8: {  	_ =	task.clear_ibuf [dreg:s8], $0x2FFFF;
	_ =	strace $0x9FFFFFFF  }
0xc9: {  	(tm) =	ssettm $0x7FFFFFFF  }
tec
execute0_lowered:
.L_overlay_start_1:
0x0: {  	(tag) =	ssettag $0x1  }
0x1: {  	s3 =	rddreg [dreg:$0x0]  }
0x2: {  	s7 =	rddreg [dreg:$0x1]  }
0x3: {  	s8 =	rddreg [dreg:$0x2]  }
0x4: {  	s0 =	rddreg [dreg:$0x3];
	s2 =	simm.s32 $0x0;
	s4 =	srdreg.scid  }
0x5: {  	s1 =	stileid.u32;
	s15 =	simm.s32 $0x0;
	[smem:$0x7FF] =	sst s2  }
0x6: {  	s4 =	sand.u32 $0x1, s4;
	s5 =	sshll.u32 s1, $0x9;
	s6 =	sshrl.u32 s1, $0x1  }
0x7: {  	s11 =	sadd.s32 $0x800, s3;
	_ =	strace $0x80000047;
	s9 =	sshll.u32 s4, $0x8  }
0x8: {  	s5 =	sand.u32 $0x200, s5;
	s10 =	smul.u32 $0xC000, s6;
	s20 =	ssub.s32 $0x2, s4  }
0x9: {  	s12 =	smul.u32 $0x3000, s6;
	s21 =	sor.u32 s9, s5;
	s22 =	sshrl.u32 s20, $0x1  }
0xa: {  	s6 =	sshll.u32 s6, $0xC;
	s9 =	sor.u32 s10, s21;
	s13 =	ssub.s32 s20, s22  }
0xb: {  	s24 =	sor.u32 s12, s21;
	s25 =	sor.u32 s6, s21;
	s14 =	sor.u32 $0x80, s21  }
0xc: {  	s23 =	sshrl.u32 s9, $0x3;
	s5 =	sshrl.u32 s24, $0x3;
	s9 =	sshrl.u32 s25, $0x3  }
0xd: {  	s26 =	sor.u32 s10, s14;
	s28 =	sor.u32 s12, s14;
	s29 =	sor.u32 s6, s14  }
0xe: {  	s10 =	simm.s32 $0x80;
	s12 =	simm.s32 $0x1;
	s14 =	simm.s32 $0x2000  }
0xf: {  	s3 =	sadd.s32 s11, s23;
	s4 =	sadd.s32 s7, s5;
	s5 =	sadd.s32 s8, s9  }
0x10: {  	s9 =	sshrl.u32 s26, $0x3;
	s30 =	sshrl.u32 s28, $0x3;
	s31 =	sshrl.u32 s29, $0x3  }
0x11: {  	s6 =	sadd.s32 s11, s9;
	s7 =	sadd.s32 s7, s30;
	s8 =	sadd.s32 s8, s31  }
0x12: {  	v0 =	vimm.f32 $+Inf;
	v1 =	vimm.s32 $0x0;
	v2 =	vlaneseq.u32;
	s9 =	smax.u32 s13, $0x1;
	s11 =	simm.s32 $0x400;
	s13 =	simm.s32 $0x2600  }
.LBB2_1:
0x13: {  	[tilespmem:s2], [sflag:$0x1] =	stream.strided.gather [hbm4b:s3+s10], $0x1800, s11, s10, $0x38;
	[tilespmem:$0x2800] =	vst v63  }
0x14: {  	_ =	swait.ge [sflag:s12], $0x1800  }
0x15: {  	[sflag:s12] =	ssyncset.done $0x0  }
0x16: {  	s16 =	simm.s32 $0x40;
	s17 =	simm.s32 $0x0;
	[sflag:s12] =	ssyncadd.s32 $0xFFFFE800  }
.LBB2_2:
0x17: {  	p0 =	sne.s32 s16, $0x1FC0;
	[tilespmem:s17+$0x1800] =	vst v0;
	s17 =	smov.u32 s16;
	s16 =	sadd.s32 $0x40, s16  }
.Ltmp0:
0x18: {  	(pc) =	sbr.rel @p0 .LBB2_2-.Ltmp0, $2  }
0x19: {  	_ =	sdelay $0x2  }
0x1a: {  	s17 =	sshra.s32 s17, $0x2  }
0x1b: {  	[tilespmem:s17+$0x1800] =	vst v0  }
0x1c: {  	v3 =	vld [tilespmem:$0x0]  }
0x1d: {  	v4 =	vld [tilespmem:$0x800]  }
0x1e: {  	v5 =	vld [tilespmem:$0x1000];
	_ =	sdelay $0x3  }
0x1f: {  	v3 =	vadd.f32 $0.0e+00, v3  }
0x20: {  	v4 =	vadd.f32 $0.0e+00, v4;
	v6 =	vadd.f32 $0.0e+00, v5  }
0x21: {  	v3 =	vbroadcast v3, $0x0  }
0x22: {  	s16 =	simm.s32 $0x1;
	[tilespmem:v1+s13+$0x0] =	vst.idx.msk $0x1, v1;
	v5 =	vbroadcast v4, $0x0;
	v4 =	vbroadcast v6, $0x0  }
.LBB2_4:
0x23: {  	s18 =	simm.s32 $0x840  }
0x24: {  	v6 =	vld [tilespmem:s18+$0x7C0]  }
0x25: {  	v7 =	vld [tilespmem:s18+$0x800]  }
0x26: {  	v8 =	vld [tilespmem:s18+$0x0]  }
0x27: {  	v9 =	vld [tilespmem:s18+$0xFFFFFFC0]  }
0x28: {  	v11 =	vld [tilespmem:s18+$0xFFFFFFE0]  }
0x29: {  	v10 =	vld [tilespmem:s18+$0xFFFFF7C0]  }
0x2a: {  	v12 =	vld [tilespmem:s18+$0x7E0]  }
0x2b: {  	v13 =	vld [tilespmem:s18+$0xFFFFF800]  }
0x2c: {  	v14 =	vld [tilespmem:s18+$0xFFFFF7E0];
	v6 =	vsub.f32 v6, v4  }
0x2d: {  	v16 =	vld [tilespmem:s18+$0x820];
	v15 =	vsub.f32 v9, v5;
	v7 =	vsub.f32 v7, v4  }
0x2e: {  	v8 =	vsub.f32 v8, v5;
	v17 =	vsub.f32 v10, v3  }
0x2f: {  	v9 =	vimm.f32 $-Inf;
	v11 =	vsub.f32 v11, v5;
	v12 =	vsub.f32 v12, v4  }
0x30: {  	s17 =	simm.s32 $0x1840;
	v13 =	vsub.f32 v13, v3;
	v6 =	vmul.f32 v6, v6;
	v15 =	vmul.f32 v15, v15  }
0x31: {  	v18 =	vld [tilespmem:s17+$0xFFFFFFC0];
	v14 =	vsub.f32 v14, v3;
	v11 =	vmul.f32 v11, v11;
	v12 =	vmul.f32 v12, v12  }
0x32: {  	v19 =	vld [tilespmem:s18+$0xFFFFF820];
	v16 =	vsub.f32 v16, v4;
	v7 =	vmul.f32 v7, v7;
	v8 =	vmul.f32 v8, v8  }
0x33: {  	v14 =	vmul.f32 v14, v14;
	v6 =	vadd.f32 v6, v15;
	v15 =	vmul.f32 v17, v17;
	v17 =	vld [tilespmem:s18+$0x20]  }
0x34: {  	v13 =	vmul.f32 v13, v13;
	v11 =	vadd.f32 v12, v11;
	v12 =	vld [tilespmem:s17+$0xFFFFFFE0];
	v7 =	vadd.f32 v7, v8  }
0x35: {  	s29 =	simm.s32 $0x40;
	v10 =	vimm.s32 $0x0;
	v16 =	vmul.f32 v16, v16;
	v15 =	vadd.f32 v6, v15  }
0x36: {  	s19 =	simm.s32 $0x0;
	v14 =	vadd.f32 v11, v14;
	v7 =	vadd.f32 v7, v13;
	v11 =	vor.u32 s29, v2  }
0x37: {  	v20 =	vld [tilespmem:s17+$0x20];
	v8 =	vmin.f32 v18, v15;
	v15 =	vsub.f32 v19, v3;
	v18 =	vor.u32 s19, v2  }
0x38: {  	v19 =	vld [tilespmem:s17+$0x0];
	[tilespmem:s17+$0xFFFFFFC0] =	vst v8;
	vm0 =	vlt.s32 v18, v10;
	v17 =	vsub.f32 v17, v5;
	vm1 =	veq.f32 v8, v9  }
0x39: {  	s30 =	simm.s32 $0x20;
	v12 =	vmin.f32 v12, v14;
	v13 =	vld [tilespmem:s18+$0xFFFFF7D0];
	vm0 =	vmand vm0, vm1;
	vm1 =	vgt.f32 v8, v9  }
0x3a: {  	v14 =	vor.u32 s30, v2;
	v22 =	vld [tilespmem:s18+$0xFFFFFFD0];
	v17 =	vmul.f32 v17, v17;
	vm0 =	vmor vm1, vm0  }
0x3b: {  	v21 =	vld [tilespmem:s18+$0x7D0];
	[tilespmem:s17+$0xFFFFFFE0] =	vst v12;
	v15 =	vmul.f32 v15, v15;
	v8 =	vsel vm0, v8, v9;
	v18 =	vsel vm0, v18, v10  }
0x3c: {  	v23 =	vld [tilespmem:s18+$0xFFFFFFF0];
	vm0 =	veq.f32 v12, v8;
	vm1 =	vlt.s32 v14, v18;
	v16 =	vadd.f32 v16, v17  }
0x3d: {  	v17 =	vld [tilespmem:s18+$0xFFFFF7F0];
	v19 =	vmin.f32 v19, v7;
	vm2 =	vgt.f32 v12, v8;
	vm0 =	vmand vm1, vm0  }
0x3e: {  	v7 =	vld [tilespmem:s18+$0x7F0];
	v13 =	vsub.f32 v13, v3;
	vm0 =	vmor vm2, vm0;
	v15 =	vadd.f32 v16, v15  }
0x3f: {  	[tilespmem:s17+$0x0] =	vst v19;
	v8 =	vsel vm0, v12, v8;
	v16 =	vsel vm0, v14, v18;
	v14 =	vsub.f32 v22, v5  }
0x40: {  	vm0 =	veq.f32 v19, v8;
	v12 =	vmin.f32 v20, v15;
	v15 =	vsub.f32 v21, v4;
	v21 =	vld [tilespmem:s18+$0xFFFFF810]  }
0x41: {  	v24 =	vld [tilespmem:s18+$0x10];
	v20 =	vsub.f32 v23, v5;
	vm1 =	vlt.s32 v11, v16;
	v13 =	vmul.f32 v13, v13  }
0x42: {  	v26 =	vld [tilespmem:s18+$0x810];
	vm2 =	vgt.f32 v19, v8;
	v14 =	vmul.f32 v14, v14;
	v15 =	vmul.f32 v15, v15  }
0x43: {  	v18 =	vld [tilespmem:s17+$0xFFFFFFD0];
	v17 =	vsub.f32 v17, v3;
	[tilespmem:s17+$0x20] =	vst v12;
	v7 =	vsub.f32 v7, v4;
	vm0 =	vmand vm1, vm0  }
0x44: {  	v25 =	vld [tilespmem:s18+$0x30];
	v22 =	vmul.f32 v20, v20;
	vm1 =	vmor vm2, vm0;
	v14 =	vadd.f32 v15, v14  }
0x45: {  	v23 =	vld [tilespmem:s18+$0x830];
	v20 =	vmul.f32 v17, v17;
	v15 =	vmul.f32 v7, v7;
	v17 =	vsub.f32 v21, v3  }
0x46: {  	s31 =	simm.s32 $0x60;
	v14 =	vadd.f32 v14, v13;
	v13 =	vsel vm1, v19, v8;
	v19 =	vsub.f32 v24, v5;
	v24 =	vld [tilespmem:s18+$0xFFFFF830]  }
0x47: {  	s19 =	simm.s32 $0x70;
	v7 =	vor.u32 s31, v2;
	v21 =	vsub.f32 v26, v4;
	v22 =	vadd.f32 v15, v22  }
0x48: {  	s20 =	simm.s32 $0x0;
	v6 =	vld [tilespmem:s17+$0xFFFFFFF0];
	v8 =	vor.u32 s19, v2;
	v17 =	vmul.f32 v17, v17;
	v15 =	vmin.f32 v18, v14  }
0x49: {  	s22 =	simm.s32 $0x8C0;
	s21 =	simm.s32 $0x70;
	s18 =	simm.s32 $0x1840;
	v18 =	vsub.f32 v25, v5;
	v19 =	vmul.f32 v19, v19;
	v14 =	vld [tilespmem:s17+$0x10];
	[tilespmem:s17+$0xFFFFFFD0] =	vst v15;
	vm0 =	veq.f32 v15, v9  }
.LBB2_5:
0x4a: {  	v25 =	vld [tilespmem:s22+$0x7C0];
	s20 =	sadd.s32 $0x8, s20;
	v11 =	vsel vm1, v11, v16;
	vm1 =	vgt.f32 v12, v13;
	vm2 =	veq.f32 v12, v13;
	s19 =	sadd.s32 $0x80, s19;
	s17 =	sadd.s32 $0x80, s17  }
0x4b: {  	v23 =	vsub.f32 v23, v4;
	s23 =	sadd.s32 $0xFFFFFFF0, s19;
	v16 =	vld [tilespmem:s22+$0xFFFFF820];
	p0 =	slt.u32 s20, $0x78;
	vm3 =	vlt.s32 v7, v11;
	v24 =	vsub.f32 v24, v3  }
0x4c: {  	v20 =	vadd.f32 v22, v20;
	s24 =	sadd.s32 $0xFFFFFFE0, s21;
	v26 =	vld [tilespmem:s22+$0x820];
	v27 =	vor.u32 s23, v2;
	s23 =	sadd.s32 $0xFFFFFFC0, s21;
	vm2 =	vmand vm3, vm2  }
0x4d: {  	s25 =	sadd.s32 $0xFFFFFFA0, s21;
	v29 =	vor.u32 s24, v2;
	s21 =	smov.u32 s19;
	v22 =	vld [tilespmem:s22+$0xFFFFF800];
	v28 =	vor.u32 s23, v2;
	vm1 =	vmor vm1, vm2  }
0x4e: {  	v31 =	vor.u32 s25, v2;
	v30 =	vld [tilespmem:s22+$0x800];
	v12 =	vsel vm1, v12, v13;
	v13 =	vsel vm1, v7, v11;
	v7 =	vmovc v27  }
0x4f: {  	v20 =	vmin.f32 v6, v20;
	v6 =	vmul.f32 v21, v21;
	v11 =	vsub.f32 v25, v4;
	v25 =	vld [tilespmem:s22+$0x0]  }
0x50: {  	v24 =	vmul.f32 v24, v24;
	vm1 =	vlt.s32 v31, v10;
	v21 =	vld [tilespmem:s22+$0xFFFFF7E0];
	v16 =	vsub.f32 v16, v3;
	[tilespmem:s18+$0xFFFFFFF0] =	vst v20  }
0x51: {  	vm0 =	vmand vm1, vm0;
	v11 =	vmul.f32 v11, v11;
	v27 =	vld [tilespmem:s22+$0xFFFFFFE0];
	v26 =	vsub.f32 v26, v4  }
0x52: {  	v18 =	vmul.f32 v18, v18;
	v23 =	vmul.f32 v23, v23;
	vm1 =	vgt.f32 v15, v9;
	v32 =	vld [tilespmem:s22+$0xFFFFFFC0]  }
0x53: {  	v19 =	vadd.f32 v6, v19;
	v33 =	vld [tilespmem:s22+$0x7E0];
	v30 =	vsub.f32 v30, v4;
	v26 =	vmul.f32 v26, v26  }
0x54: {  	v18 =	vadd.f32 v23, v18;
	vm0 =	vmor vm1, vm0;
	v6 =	vld [tilespmem:s17+$0xFFFFFFF0];
	v25 =	vsub.f32 v25, v5  }
0x55: {  	v17 =	vadd.f32 v19, v17;
	v22 =	vsub.f32 v22, v3;
	v23 =	vmul.f32 v30, v30  }
0x56: {  	v9 =	vsel vm0, v15, v9;
	v21 =	vsub.f32 v21, v3;
	v19 =	vld [tilespmem:s22+$0xFFFFF7C0];
	v27 =	vsub.f32 v27, v5  }
0x57: {  	v10 =	vsel vm0, v31, v10;
	v14 =	vmin.f32 v14, v17;
	v15 =	vsub.f32 v32, v5  }
0x58: {  	vm0 =	vlt.s32 v28, v10;
	v17 =	vsub.f32 v33, v4;
	v27 =	vmul.f32 v27, v27;
	[tilespmem:s18+$0x10] =	vst v14  }
0x59: {  	s23 =	sadd.s32 $0xFFFFFF90, s19;
	vm1 =	vgt.f32 v20, v9;
	vm2 =	veq.f32 v20, v9;
	v15 =	vmul.f32 v15, v15  }
0x5a: {  	vm2 =	vmand vm0, vm2;
	v30 =	vor.u32 s23, v2;
	v17 =	vmul.f32 v17, v17  }
0x5b: {  	vm0 =	vlt.s32 v30, v13;
	v19 =	vsub.f32 v19, v3;
	v11 =	vadd.f32 v11, v15  }
0x5c: {  	vm1 =	vmor vm1, vm2;
	v21 =	vmul.f32 v21, v21;
	v15 =	vld [tilespmem:s17+$0xFFFFFFC0];
	v17 =	vadd.f32 v17, v27  }
0x5d: {  	v9 =	vsel vm1, v20, v9;
	v25 =	vmul.f32 v25, v25;
	v19 =	vmul.f32 v19, v19;
	v27 =	vld [tilespmem:s22+$0x20]  }
0x5e: {  	v20 =	vmul.f32 v22, v22;
	v10 =	vsel vm1, v28, v10;
	v17 =	vadd.f32 v17, v21  }
0x5f: {  	vm1 =	veq.f32 v14, v9;
	v11 =	vadd.f32 v11, v19;
	v19 =	vadd.f32 v23, v25;
	v21 =	vld [tilespmem:s18+$0x30]  }
0x60: {  	v18 =	vadd.f32 v18, v24;
	vm2 =	vgt.f32 v14, v9;
	vm3 =	vlt.s32 v29, v10  }
0x61: {  	s23 =	sadd.s32 $0xFFFFFFD0, s19;
	vm1 =	vmand vm3, vm1;
	v15 =	vmin.f32 v15, v11;
	v22 =	vld [tilespmem:s17+$0xFFFFFFE0];
	v19 =	vadd.f32 v19, v20  }
0x62: {  	s24 =	sadd.s32 $0xFFFFFFB0, s19;
	vm1 =	vmor vm2, vm1;
	v11 =	vor.u32 s23, v2;
	[tilespmem:s17+$0xFFFFFFC0] =	vst v15;
	v20 =	vld [tilespmem:s17+$0x0];
	v23 =	vsub.f32 v27, v5  }
0x63: {  	v10 =	vsel vm1, v29, v10;
	v25 =	vor.u32 s24, v2;
	vm2 =	veq.f32 v15, v12;
	v24 =	vld [tilespmem:s22+$0xFFFFF7D0]  }
0x64: {  	v9 =	vsel vm1, v14, v9;
	vm0 =	vmand vm0, vm2;
	v14 =	vmin.f32 v21, v18  }
0x65: {  	vm1 =	vgt.f32 v15, v12;
	v18 =	vmul.f32 v23, v23;
	v21 =	vld [tilespmem:s17+$0x20];
	[tilespmem:s18+$0x30] =	vst v14;
	vm2 =	veq.f32 v14, v9;
	s18 =	smov.u32 s17  }
0x66: {  	vm0 =	vmor vm1, vm0;
	vm1 =	vgt.f32 v14, v9;
	v23 =	vld [tilespmem:s22+$0x7D0];
	v17 =	vmin.f32 v22, v17  }
0x67: {  	v12 =	vsel vm0, v15, v12;
	v13 =	vsel vm0, v30, v13;
	v15 =	vld [tilespmem:s22+$0xFFFFFFD0];
	[tilespmem:s17+$0xFFFFFFE0] =	vst v17;
	v19 =	vmin.f32 v20, v19  }
0x68: {  	v16 =	vmul.f32 v16, v16;
	vm0 =	vlt.s32 v8, v10;
	v22 =	vsub.f32 v24, v3;
	v20 =	vld [tilespmem:s22+$0x7F0]  }
0x69: {  	vm4 =	vlt.s32 v25, v13;
	v18 =	vadd.f32 v26, v18;
	vm3 =	veq.f32 v17, v12;
	v24 =	vld [tilespmem:s22+$0xFFFFFFF0]  }
0x6a: {  	vm0 =	vmand vm0, vm2;
	vm5 =	vgt.f32 v17, v12;
	vm3 =	vmand vm4, vm3;
	v26 =	vld [tilespmem:s22+$0xFFFFF7F0]  }
0x6b: {  	vm0 =	vmor vm1, vm0;
	v18 =	vadd.f32 v18, v16;
	vm2 =	vmor vm5, vm3  }
0x6c: {  	v9 =	vsel vm0, v14, v9;
	v17 =	vsel vm2, v17, v12;
	v16 =	vsel vm2, v25, v13  }
0x6d: {  	v12 =	vmin.f32 v21, v18;
	vm1 =	veq.f32 v19, v17;
	v13 =	vsub.f32 v15, v5;
	v14 =	vld [tilespmem:s17+$0xFFFFFFD0];
	[tilespmem:s17+$0x0] =	vst v19  }
0x6e: {  	v10 =	vsel vm0, v8, v10;
	v15 =	vsub.f32 v23, v4;
	v18 =	vsub.f32 v24, v5;
	v21 =	vld [tilespmem:s22+$0xFFFFF810]  }
0x6f: {  	v23 =	vsub.f32 v20, v4;
	v8 =	vmul.f32 v13, v13;
	v13 =	vsub.f32 v26, v3;
	v25 =	vld [tilespmem:s22+$0x10];
	[tilespmem:s17+$0x20] =	vst v12  }
0x70: {  	vm0 =	vlt.s32 v11, v16;
	v15 =	vmul.f32 v15, v15;
	v18 =	vmul.f32 v18, v18;
	v26 =	vld [tilespmem:s22+$0x30]  }
0x71: {  	vm2 =	vgt.f32 v19, v17;
	vm0 =	vmand vm0, vm1;
	v20 =	vmul.f32 v13, v13;
	v27 =	vld [tilespmem:s22+$0x810]  }
0x72: {  	v8 =	vadd.f32 v15, v8;
	v15 =	vmul.f32 v23, v23;
	v13 =	vmul.f32 v22, v22;
	v23 =	vld [tilespmem:s22+$0x830]  }
.Ltmp1:
0x73: {  	vm1 =	vmor vm2, vm0;
	(pc) =	sbr.rel @p0 .LBB2_5-.Ltmp1, $4  }
0x74: {  	v22 =	vadd.f32 v15, v18;
	v28 =	vadd.f32 v8, v13;
	v13 =	vsel vm1, v19, v17;
	v24 =	vld [tilespmem:s22+$0xFFFFF830]  }
0x75: {  	v17 =	vsub.f32 v21, v3;
	v8 =	vor.u32 s19, v2;
	v19 =	vsub.f32 v25, v5  }
0x76: {  	v15 =	vmin.f32 v14, v28;
	v18 =	vsub.f32 v26, v5;
	v21 =	vsub.f32 v27, v4  }
0x77: {  	s22 =	sadd.s32 $0x80, s22;
	v17 =	vmul.f32 v17, v17;
	vm0 =	veq.f32 v15, v9;
	v19 =	vmul.f32 v19, v19;
	[tilespmem:s17+$0xFFFFFFD0] =	vst v15;
	v14 =	vld [tilespmem:s17+$0x10]  }
0x78: {  	v5 =	vsel vm1, v11, v16;
	s17 =	sadd.s32 $0xFFFFFFA0, s21;
	v52 =	vadd.f32 v22, v20  }
0x79: {  	s19 =	sadd.s32 $0xFFFFFFC0, s21;
	v21 =	vmul.f32 v21, v21;
	vm12 =	vgt.f32 v15, v9;
	v53 =	vor.u32 s17, v2  }
0x7a: {  	s20 =	sadd.s32 $0xFFFFFFE0, s21;
	v56 =	vmul.f32 v18, v18;
	v54 =	vor.u32 s19, v2;
	vm11 =	vlt.s32 v53, v10  }
0x7b: {  	v55 =	vor.u32 s20, v2;
	v6 =	vmin.f32 v6, v52;
	vm0 =	vmand vm11, vm0  }
0x7c: {  	v57 =	vadd.f32 v21, v19;
	v3 =	vsub.f32 v24, v3;
	vm0 =	vmor vm12, vm0  }
0x7d: {  	v4 =	vsub.f32 v23, v4;
	v58 =	vsel vm0, v15, v9;
	v59 =	vsel vm0, v53, v10  }
0x7e: {  	v60 =	vadd.f32 v57, v17;
	vm0 =	vlt.s32 v54, v59;
	vm13 =	veq.f32 v6, v58  }
0x7f: {  	v4 =	vmul.f32 v4, v4;
	vm2 =	vgt.f32 v6, v58;
	vm0 =	vmand vm0, vm13  }
0x80: {  	v61 =	vld [tilespmem:s18+$0x30];
	v3 =	vmul.f32 v3, v3;
	v14 =	vmin.f32 v14, v60;
	vm0 =	vmor vm2, vm0  }
0x81: {  	v4 =	vadd.f32 v4, v56;
	v9 =	vsel vm0, v6, v58;
	v10 =	vsel vm0, v54, v59  }
0x82: {  	vm14 =	vgt.f32 v12, v13;
	vm15 =	veq.f32 v14, v9;
	vm6 =	vlt.s32 v55, v10  }
0x83: {  	vm3 =	vgt.f32 v14, v9;
	v3 =	vadd.f32 v4, v3;
	vm1 =	vmand vm6, vm15  }
0x84: {  	vm7 =	veq.f32 v12, v13;
	vm8 =	vlt.s32 v7, v5;
	vm1 =	vmor vm3, vm1  }
0x85: {  	v3 =	vmin.f32 v61, v3;
	v4 =	vsel vm1, v55, v10;
	v9 =	vsel vm1, v14, v9  }
0x86: {  	vm9 =	vmand vm8, vm7;
	vm10 =	veq.f32 v3, v9;
	vm11 =	vlt.s32 v8, v4  }
0x87: {  	vm0 =	vmor vm14, vm9;
	vm12 =	vgt.f32 v3, v9;
	vm2 =	vmand vm11, vm10  }
0x88: {  	v62 =	vsel vm0, v12, v13;
	vm1 =	vmor vm12, vm2  }
0x89: {  	v5 =	vsel vm0, v7, v5;
	v7 =	vsel vm1, v3, v9;
	v4 =	vsel vm1, v8, v4  }
0x8a: {  	vm13 =	veq.f32 v7, v62;
	vm1 =	vlt.s32 v4, v5  }
0x8b: {  	vm14 =	vgt.f32 v7, v62;
	vm0 =	vmand vm13, vm1  }
0x8c: {  	vm0 =	vmor vm14, vm0  }
0x8d: {  	v7 =	vsel vm0, v7, v62  }
0x8e: {  	(xrf0) =	vmax.scan.msk.f32 $0xffff, v7;
	_ =	sdelay $0x5  }
0x8f: {  	v63, _, _ =	vpop (xrf0)  }
0x90: {  	v8 =	vbroadcast v63, $0xF  }
0x91: {  	v4 =	vsel vm0, v4, v5  }
0x92: {  	v4 =	vxor.u32 $0x80000000, v4;
	vm15 =	veq.f32 v7, v8  }
0x93: {  	v4 =	vnsel vm15, $0xFFFFFFFF, v4  }
0x94: {  	(xrf0) =	vmin.scan.msk.u32 $0xffff, v4;
	_ =	sdelay $0x5  }
0x95: {  	v4, _, _ =	vpop (xrf0)  }
0x96: {  	(v2sf) =	vpush v4, $0xF;
	_ =	sdelay $0xe  }
0x97: {  	s31 =	spop (v2sf)  }
0x98: {  	v4 =	vmov s16;
	s17 =	sxor.u32 $0x80000000, s31  }
0x99: {  	v5 =	vmov s17  }
0x9a: {  	[tilespmem:s18+$0xFFFFFFF0] =	vst v6;
	v7 =	vadd.s32 $0x1000, v5  }
0x9b: {  	[tilespmem:s18+$0x10] =	vst v14  }
0x9c: {  	[tilespmem:s18+$0x30] =	vst v3;
	s16 =	sadd.s32 $0x1, s16  }
0x9d: {  	p0 =	sne.s32 s16, $0x200;
	s17 =	simm.s32 $0x0;
	v6 =	vadd.s32 $0x800, v5;
	[tilespmem:v4+s13+$0x0] =	vst.idx.msk $0x1, v5  }
.Ltmp2:
0x9e: {  	v3 =	vld.idx.msk [tilespmem:v5+s17+$0x0], $0xffff;
	(pc) =	sbr.rel @p0 .LBB2_4-.Ltmp2, $2  }
0x9f: {  	v4 =	vld.idx.msk [tilespmem:v7+s17+$0x0], $0xffff;
	_ =	sdelay $0x2  }
0xa0: {  	v5 =	vld.idx.msk [tilespmem:v6+s17+$0x0], $0xffff  }
0xa1: {  	s16 =	simm.s32 $0x2620  }
0xa2: {  	v4 =	vld [tilespmem:s16+$0x10];
	_ =	sdelay $0x2  }
0xa3: {  	v5 =	vld [tilespmem:s16+$0xFFFFFFF0]  }
0xa4: {  	v7 =	vld [tilespmem:s16+$0xFFFFFFE0];
	_ =	sdelay $0x1  }
0xa5: {  	s18 =	simm.s32 $0x2660;
	v6 =	vld [tilespmem:s16+$0x0]  }
0xa6: {  	v15 =	vld [tilespmem:s18+$0xFFFFFFF0]  }
0xa7: {  	v3 =	vld.idx.msk [tilespmem:v4+s2+$0x0], $0xffff  }
0xa8: {  	v16 =	vld [tilespmem:s18+$0x0]  }
0xa9: {  	v17 =	vld [tilespmem:s18+$0xFFFFFFE0];
	v8 =	vadd.s32 $0x800, v4  }
0xaa: {  	v9 =	vld.idx.msk [tilespmem:v5+s2+$0x0], $0xffff  }
0xab: {  	s16 =	simm.s32 $0x2220;
	v11 =	vld.idx.msk [tilespmem:v7+s2+$0x0], $0xffff  }
0xac: {  	v12 =	vadd.s32 $0x800, v7;
	[tilespmem:s16+$0xFFFFFE10] =	vst v3;
	v3 =	vld [tilespmem:s18+$0x10]  }
0xad: {  	v13 =	vadd.s32 $0x800, v5;
	v10 =	vld.idx.msk [tilespmem:v6+s2+$0x0], $0xffff  }
0xae: {  	v14 =	vadd.s32 $0x800, v6;
	v8 =	vld.idx.msk [tilespmem:v8+s2+$0x0], $0xffff  }
0xaf: {  	v18 =	vld.idx.msk [tilespmem:v15+s2+$0x0], $0xffff  }
0xb0: {  	v4 =	vadd.s32 $0x1000, v4;
	[tilespmem:s16+$0xFFFFFDE0] =	vst v11;
	v11 =	vld.idx.msk [tilespmem:v16+s2+$0x0], $0xffff  }
0xb1: {  	[tilespmem:s16+$0xFFFFFDF0] =	vst v9;
	v9 =	vld.idx.msk [tilespmem:v12+s2+$0x0], $0xffff  }
0xb2: {  	v7 =	vadd.s32 $0x1000, v7;
	[tilespmem:s16+$0xFFFFFE00] =	vst v10;
	v12 =	vld.idx.msk [tilespmem:v13+s2+$0x0], $0xffff  }
0xb3: {  	v5 =	vadd.s32 $0x1000, v5;
	[tilespmem:s16+$0x10] =	vst v8;
	v8 =	vld.idx.msk [tilespmem:v14+s2+$0x0], $0xffff  }
0xb4: {  	v6 =	vadd.s32 $0x1000, v6;
	s18 =	simm.s32 $0x2260;
	v10 =	vld.idx.msk [tilespmem:v3+s2+$0x0], $0xffff  }
0xb5: {  	s20 =	sand.u32 $0x1C0, s17;
	[tilespmem:s18+$0xFFFFFDF0] =	vst v18;
	v19 =	vadd.s32 $0x800, v3;
	v4 =	vld.idx.msk [tilespmem:v4+s2+$0x0], $0xffff  }
0xb6: {  	[tilespmem:s20+$0x2200] =	vst v9;
	v14 =	vld.idx.msk [tilespmem:v17+s2+$0x0], $0xffff  }
0xb7: {  	[tilespmem:s16+$0xFFFFFFF0] =	vst v12;
	v12 =	vld.idx.msk [tilespmem:v7+s2+$0x0], $0xffff  }
0xb8: {  	v9 =	vld.idx.msk [tilespmem:v5+s2+$0x0], $0xffff;
	[tilespmem:s16+$0x0] =	vst v8  }
0xb9: {  	v7 =	vadd.s32 $0x800, v16;
	v5 =	vadd.s32 $0x1000, v16;
	v8 =	vadd.s32 $0x800, v15;
	v13 =	vld.idx.msk [tilespmem:v6+s2+$0x0], $0xffff;
	[tilespmem:s18+$0xFFFFFE10] =	vst v10  }
0xba: {  	s19 =	simm.s32 $0x4;
	s21 =	simm.s32 $0x26A0;
	[tilespmem:s16+$0x210] =	vst v4;
	v4 =	vadd.s32 $0x1000, v15;
	v6 =	vadd.s32 $0x1000, v17;
	v10 =	vadd.s32 $0x800, v17;
	v15 =	vld.idx.msk [tilespmem:v19+s2+$0x0], $0xffff  }
.LBB2_8:
0xbb: {  	v16 =	vld [tilespmem:s21+$0x10];
	s19 =	sadd.s32 $0x4, s19;
	[tilespmem:s18+$0xFFFFFE00] =	vst v11  }
0xbc: {  	v11 =	vld [tilespmem:s21+$0xFFFFFFF0];
	p0 =	slt.u32 s19, $0x1C;
	[tilespmem:s18+$0xFFFFFDE0] =	vst v14;
	v14 =	vadd.s32 $0x1000, v3  }
0xbd: {  	v17 =	vld [tilespmem:s21+$0x0];
	[tilespmem:s20+$0x2400] =	vst v12  }
0xbe: {  	v12 =	vld [tilespmem:s21+$0xFFFFFFE0];
	[tilespmem:s16+$0x1F0] =	vst v9  }
0xbf: {  	v9 =	vld.idx.msk [tilespmem:v10+s2+$0x0], $0xffff;
	[tilespmem:s16+$0x200] =	vst v13;
	s16 =	smov.u32 s18  }
0xc0: {  	v13 =	vld.idx.msk [tilespmem:v8+s2+$0x0], $0xffff;
	[tilespmem:s18+$0x10] =	vst v15;
	v3 =	vmov v16  }
0xc1: {  	v8 =	vadd.s32 $0x800, v11;
	v15 =	vadd.s32 $0x1000, v11;
	v18 =	vld.idx.msk [tilespmem:v14+s2+$0x0], $0xffff  }
0xc2: {  	v19 =	vadd.s32 $0x1000, v17;
	v20 =	vld.idx.msk [tilespmem:v7+s2+$0x0], $0xffff;
	v7 =	vadd.s32 $0x800, v17  }
0xc3: {  	s17 =	sadd.s32 $0x40, s17;
	v10 =	vadd.s32 $0x800, v12;
	v21 =	vadd.s32 $0x1000, v12;
	v16 =	vld.idx.msk [tilespmem:v16+s2+$0x0], $0xffff  }
0xc4: {  	s20 =	sand.u32 $0x1C0, s17;
	v22 =	vld.idx.msk [tilespmem:v11+s2+$0x0], $0xffff  }
0xc5: {  	v11 =	vld.idx.msk [tilespmem:v17+s2+$0x0], $0xffff;
	v17 =	vadd.s32 $0x800, v3;
	[tilespmem:s20+$0x2200] =	vst v9  }
.Ltmp3:
0xc6: {  	v14 =	vld.idx.msk [tilespmem:v12+s2+$0x0], $0xffff;
	[tilespmem:s18+$0xFFFFFFF0] =	vst v13;
	(pc) =	sbr.rel @p0 .LBB2_8-.Ltmp3, $4  }
0xc7: {  	v12 =	vld.idx.msk [tilespmem:v6+s2+$0x0], $0xffff;
	[tilespmem:s18+$0x210] =	vst v18;
	v6 =	vmov v21  }
0xc8: {  	s18 =	sadd.s32 $0x40, s18;
	v9 =	vld.idx.msk [tilespmem:v4+s2+$0x0], $0xffff;
	[tilespmem:s16+$0x0] =	vst v20;
	v4 =	vmov v15  }
0xc9: {  	[tilespmem:s18+$0xFFFFFE10] =	vst v16;
	v13 =	vld.idx.msk [tilespmem:v5+s2+$0x0], $0xffff;
	v5 =	vmov v19  }
0xca: {  	s21 =	sadd.s32 $0x40, s21;
	[tilespmem:s18+$0xFFFFFDF0] =	vst v22;
	v15 =	vld.idx.msk [tilespmem:v17+s2+$0x0], $0xffff  }
0xcb: {  	_ =	sdelay $0x3  }
0xcc: {  	[tilespmem:s18+$0xFFFFFDE0] =	vst v14;
	v3 =	vadd.s32 $0x1000, v3;
	v8 =	vld.idx.msk [tilespmem:v8+s2+$0x0], $0xffff  }
0xcd: {  	[tilespmem:s18+$0xFFFFFE00] =	vst v11;
	v10 =	vld.idx.msk [tilespmem:v10+s2+$0x0], $0xffff  }
0xce: {  	v7 =	vld.idx.msk [tilespmem:v7+s2+$0x0], $0xffff  }
0xcf: {  	[tilespmem:s20+$0x2400] =	vst v12  }
0xd0: {  	s17 =	sadd.s32 $0x40, s17;
	[tilespmem:s18+$0x10] =	vst v15  }
0xd1: {  	s17 =	sand.u32 $0x1C0, s17;
	v3 =	vld.idx.msk [tilespmem:v3+s2+$0x0], $0xffff;
	[tilespmem:s18+$0xFFFFFFF0] =	vst v8  }
0xd2: {  	[tilespmem:s17+$0x2200] =	vst v10;
	v4 =	vld.idx.msk [tilespmem:v4+s2+$0x0], $0xffff  }
0xd3: {  	[tilespmem:s18+$0x0] =	vst v7;
	v6 =	vld.idx.msk [tilespmem:v6+s2+$0x0], $0xffff  }
0xd4: {  	[tilespmem:s16+$0x1F0] =	vst v9;
	v5 =	vld.idx.msk [tilespmem:v5+s2+$0x0], $0xffff  }
0xd5: {  	[tilespmem:s16+$0x200] =	vst v13  }
0xd6: {  	[tilespmem:s18+$0x210] =	vst v3  }
0xd7: {  	[tilespmem:s18+$0x1F0] =	vst v4  }
0xd8: {  	[tilespmem:s17+$0x2400] =	vst v6  }
0xd9: {  	[tilespmem:s18+$0x200] =	vst v5  }
0xda: {  	[hbm4b:s4+s10] =	stream.strided.scatter [tilespmem:s14], [sflag:$0x1], $0x600, s11, s10, $0x38;
	[tilespmem:$0x2800] =	vst v63  }
0xdb: {  	_ =	swait.ge [sflag:s12], $0x600  }
0xdc: {  	[sflag:s12] =	ssyncset.done $0x0  }
0xdd: {  	[sflag:s12] =	ssyncadd.s32 $0xFFFFFA00  }
0xde: {  	[hbm4b:s5+s10] =	stream.strided.scatter [tilespmem:s13], [sflag:$0x1], $0x200, s11, s10, $0x38;
	[tilespmem:$0x2800] =	vst v63  }
0xdf: {  	_ =	swait.ge [sflag:s12], $0x200  }
0xe0: {  	[sflag:s12] =	ssyncset.done $0x0  }
0xe1: {  	s31 =	simm.s32 $0x0;
	[sflag:s12] =	ssyncadd.s32 $0xFFFFFE00  }
0xe2: {  	[tilespmem:s31], [sflag:$0x1] =	stream.strided.gather [hbm4b:s6+s10], $0x1800, s11, s10, $0x38;
	[tilespmem:$0x2800] =	vst v63  }
0xe3: {  	_ =	swait.ge [sflag:s12], $0x1800  }
0xe4: {  	[sflag:s12] =	ssyncset.done $0x0  }
0xe5: {  	s16 =	simm.s32 $0x40;
	s17 =	simm.s32 $0x0;
	[sflag:s12] =	ssyncadd.s32 $0xFFFFE800  }
.LBB2_10:
0xe6: {  	p0 =	sne.s32 s16, $0x1FC0;
	[tilespmem:s17+$0x1800] =	vst v0;
	s17 =	smov.u32 s16;
	s16 =	sadd.s32 $0x40, s16  }
.Ltmp4:
0xe7: {  	(pc) =	sbr.rel @p0 .LBB2_10-.Ltmp4, $2  }
0xe8: {  	_ =	sdelay $0x2  }
0xe9: {  	s17 =	sshra.s32 s17, $0x2  }
0xea: {  	[tilespmem:s17+$0x1800] =	vst v0  }
0xeb: {  	v3 =	vld [tilespmem:$0x0]  }
0xec: {  	v4 =	vld [tilespmem:$0x800]  }
0xed: {  	v5 =	vld [tilespmem:$0x1000];
	_ =	sdelay $0x3  }
0xee: {  	v3 =	vadd.f32 $0.0e+00, v3  }
0xef: {  	v4 =	vadd.f32 $0.0e+00, v4;
	v6 =	vadd.f32 $0.0e+00, v5  }
0xf0: {  	v3 =	vbroadcast v3, $0x0  }
0xf1: {  	s16 =	simm.s32 $0x1;
	[tilespmem:v1+s13+$0x0] =	vst.idx.msk $0x1, v1;
	v5 =	vbroadcast v4, $0x0;
	v4 =	vbroadcast v6, $0x0  }
.LBB2_12:
0xf2: {  	s18 =	simm.s32 $0x840  }
0xf3: {  	v6 =	vld [tilespmem:s18+$0x7C0]  }
0xf4: {  	v7 =	vld [tilespmem:s18+$0x800]  }
0xf5: {  	v8 =	vld [tilespmem:s18+$0x0]  }
0xf6: {  	v9 =	vld [tilespmem:s18+$0xFFFFFFC0]  }
0xf7: {  	v11 =	vld [tilespmem:s18+$0xFFFFFFE0]  }
0xf8: {  	v10 =	vld [tilespmem:s18+$0xFFFFF7C0]  }
0xf9: {  	v12 =	vld [tilespmem:s18+$0x7E0]  }
0xfa: {  	v13 =	vld [tilespmem:s18+$0xFFFFF800]  }
0xfb: {  	v14 =	vld [tilespmem:s18+$0xFFFFF7E0];
	v6 =	vsub.f32 v6, v4  }
0xfc: {  	v16 =	vld [tilespmem:s18+$0x820];
	v15 =	vsub.f32 v9, v5;
	v7 =	vsub.f32 v7, v4  }
0xfd: {  	v8 =	vsub.f32 v8, v5;
	v17 =	vsub.f32 v10, v3  }
0xfe: {  	v9 =	vimm.f32 $-Inf;
	v11 =	vsub.f32 v11, v5;
	v12 =	vsub.f32 v12, v4  }
0xff: {  	s17 =	simm.s32 $0x1840;
	v13 =	vsub.f32 v13, v3;
	v6 =	vmul.f32 v6, v6;
	v15 =	vmul.f32 v15, v15  }
0x100: {  	v18 =	vld [tilespmem:s17+$0xFFFFFFC0];
	v14 =	vsub.f32 v14, v3;
	v11 =	vmul.f32 v11, v11;
	v12 =	vmul.f32 v12, v12  }
0x101: {  	v19 =	vld [tilespmem:s18+$0xFFFFF820];
	v16 =	vsub.f32 v16, v4;
	v7 =	vmul.f32 v7, v7;
	v8 =	vmul.f32 v8, v8  }
0x102: {  	v14 =	vmul.f32 v14, v14;
	v6 =	vadd.f32 v6, v15;
	v15 =	vmul.f32 v17, v17;
	v17 =	vld [tilespmem:s18+$0x20]  }
0x103: {  	v13 =	vmul.f32 v13, v13;
	v11 =	vadd.f32 v12, v11;
	v12 =	vld [tilespmem:s17+$0xFFFFFFE0];
	v7 =	vadd.f32 v7, v8  }
0x104: {  	s29 =	simm.s32 $0x40;
	v10 =	vimm.s32 $0x0;
	v16 =	vmul.f32 v16, v16;
	v15 =	vadd.f32 v6, v15  }
0x105: {  	s19 =	simm.s32 $0x0;
	v14 =	vadd.f32 v11, v14;
	v7 =	vadd.f32 v7, v13;
	v11 =	vor.u32 s29, v2  }
0x106: {  	v20 =	vld [tilespmem:s17+$0x20];
	v8 =	vmin.f32 v18, v15;
	v15 =	vsub.f32 v19, v3;
	v18 =	vor.u32 s19, v2  }
0x107: {  	v19 =	vld [tilespmem:s17+$0x0];
	[tilespmem:s17+$0xFFFFFFC0] =	vst v8;
	vm0 =	vlt.s32 v18, v10;
	v17 =	vsub.f32 v17, v5;
	vm1 =	veq.f32 v8, v9  }
0x108: {  	s30 =	simm.s32 $0x20;
	v12 =	vmin.f32 v12, v14;
	v13 =	vld [tilespmem:s18+$0xFFFFF7D0];
	vm0 =	vmand vm0, vm1;
	vm1 =	vgt.f32 v8, v9  }
0x109: {  	v14 =	vor.u32 s30, v2;
	v22 =	vld [tilespmem:s18+$0xFFFFFFD0];
	v17 =	vmul.f32 v17, v17;
	vm0 =	vmor vm1, vm0  }
0x10a: {  	v21 =	vld [tilespmem:s18+$0x7D0];
	[tilespmem:s17+$0xFFFFFFE0] =	vst v12;
	v15 =	vmul.f32 v15, v15;
	v8 =	vsel vm0, v8, v9;
	v18 =	vsel vm0, v18, v10  }
0x10b: {  	v23 =	vld [tilespmem:s18+$0xFFFFFFF0];
	vm0 =	veq.f32 v12, v8;
	vm1 =	vlt.s32 v14, v18;
	v16 =	vadd.f32 v16, v17  }
0x10c: {  	v17 =	vld [tilespmem:s18+$0xFFFFF7F0];
	v19 =	vmin.f32 v19, v7;
	vm2 =	vgt.f32 v12, v8;
	vm0 =	vmand vm1, vm0  }
0x10d: {  	v7 =	vld [tilespmem:s18+$0x7F0];
	v13 =	vsub.f32 v13, v3;
	vm0 =	vmor vm2, vm0;
	v15 =	vadd.f32 v16, v15  }
0x10e: {  	[tilespmem:s17+$0x0] =	vst v19;
	v8 =	vsel vm0, v12, v8;
	v16 =	vsel vm0, v14, v18;
	v14 =	vsub.f32 v22, v5  }
0x10f: {  	vm0 =	veq.f32 v19, v8;
	v12 =	vmin.f32 v20, v15;
	v15 =	vsub.f32 v21, v4;
	v21 =	vld [tilespmem:s18+$0xFFFFF810]  }
0x110: {  	v24 =	vld [tilespmem:s18+$0x10];
	v20 =	vsub.f32 v23, v5;
	vm1 =	vlt.s32 v11, v16;
	v13 =	vmul.f32 v13, v13  }
0x111: {  	v26 =	vld [tilespmem:s18+$0x810];
	vm2 =	vgt.f32 v19, v8;
	v14 =	vmul.f32 v14, v14;
	v15 =	vmul.f32 v15, v15  }
0x112: {  	v18 =	vld [tilespmem:s17+$0xFFFFFFD0];
	v17 =	vsub.f32 v17, v3;
	[tilespmem:s17+$0x20] =	vst v12;
	v7 =	vsub.f32 v7, v4;
	vm0 =	vmand vm1, vm0  }
0x113: {  	v25 =	vld [tilespmem:s18+$0x30];
	v22 =	vmul.f32 v20, v20;
	vm1 =	vmor vm2, vm0;
	v14 =	vadd.f32 v15, v14  }
0x114: {  	v23 =	vld [tilespmem:s18+$0x830];
	v20 =	vmul.f32 v17, v17;
	v15 =	vmul.f32 v7, v7;
	v17 =	vsub.f32 v21, v3  }
0x115: {  	s31 =	simm.s32 $0x60;
	v14 =	vadd.f32 v14, v13;
	v13 =	vsel vm1, v19, v8;
	v19 =	vsub.f32 v24, v5;
	v24 =	vld [tilespmem:s18+$0xFFFFF830]  }
0x116: {  	s19 =	simm.s32 $0x70;
	v7 =	vor.u32 s31, v2;
	v21 =	vsub.f32 v26, v4;
	v22 =	vadd.f32 v15, v22  }
0x117: {  	s20 =	simm.s32 $0x0;
	v6 =	vld [tilespmem:s17+$0xFFFFFFF0];
	v8 =	vor.u32 s19, v2;
	v17 =	vmul.f32 v17, v17;
	v15 =	vmin.f32 v18, v14  }
0x118: {  	s22 =	simm.s32 $0x8C0;
	s21 =	simm.s32 $0x70;
	s18 =	simm.s32 $0x1840;
	v18 =	vsub.f32 v25, v5;
	v19 =	vmul.f32 v19, v19;
	v14 =	vld [tilespmem:s17+$0x10];
	[tilespmem:s17+$0xFFFFFFD0] =	vst v15;
	vm0 =	veq.f32 v15, v9  }
.LBB2_13:
0x119: {  	v25 =	vld [tilespmem:s22+$0x7C0];
	s20 =	sadd.s32 $0x8, s20;
	v11 =	vsel vm1, v11, v16;
	vm1 =	vgt.f32 v12, v13;
	vm2 =	veq.f32 v12, v13;
	s19 =	sadd.s32 $0x80, s19;
	s17 =	sadd.s32 $0x80, s17  }
0x11a: {  	v23 =	vsub.f32 v23, v4;
	s23 =	sadd.s32 $0xFFFFFFF0, s19;
	v16 =	vld [tilespmem:s22+$0xFFFFF820];
	p0 =	slt.u32 s20, $0x78;
	vm3 =	vlt.s32 v7, v11;
	v24 =	vsub.f32 v24, v3  }
0x11b: {  	v20 =	vadd.f32 v22, v20;
	s24 =	sadd.s32 $0xFFFFFFE0, s21;
	v26 =	vld [tilespmem:s22+$0x820];
	v27 =	vor.u32 s23, v2;
	s23 =	sadd.s32 $0xFFFFFFC0, s21;
	vm2 =	vmand vm3, vm2  }
0x11c: {  	s25 =	sadd.s32 $0xFFFFFFA0, s21;
	v29 =	vor.u32 s24, v2;
	s21 =	smov.u32 s19;
	v22 =	vld [tilespmem:s22+$0xFFFFF800];
	v28 =	vor.u32 s23, v2;
	vm1 =	vmor vm1, vm2  }
0x11d: {  	v31 =	vor.u32 s25, v2;
	v30 =	vld [tilespmem:s22+$0x800];
	v12 =	vsel vm1, v12, v13;
	v13 =	vsel vm1, v7, v11;
	v7 =	vmovc v27  }
0x11e: {  	v20 =	vmin.f32 v6, v20;
	v6 =	vmul.f32 v21, v21;
	v11 =	vsub.f32 v25, v4;
	v25 =	vld [tilespmem:s22+$0x0]  }
0x11f: {  	v24 =	vmul.f32 v24, v24;
	vm1 =	vlt.s32 v31, v10;
	v21 =	vld [tilespmem:s22+$0xFFFFF7E0];
	v16 =	vsub.f32 v16, v3;
	[tilespmem:s18+$0xFFFFFFF0] =	vst v20  }
0x120: {  	vm0 =	vmand vm1, vm0;
	v11 =	vmul.f32 v11, v11;
	v27 =	vld [tilespmem:s22+$0xFFFFFFE0];
	v26 =	vsub.f32 v26, v4  }
0x121: {  	v18 =	vmul.f32 v18, v18;
	v23 =	vmul.f32 v23, v23;
	vm1 =	vgt.f32 v15, v9;
	v32 =	vld [tilespmem:s22+$0xFFFFFFC0]  }
0x122: {  	v19 =	vadd.f32 v6, v19;
	v33 =	vld [tilespmem:s22+$0x7E0];
	v30 =	vsub.f32 v30, v4;
	v26 =	vmul.f32 v26, v26  }
0x123: {  	v18 =	vadd.f32 v23, v18;
	vm0 =	vmor vm1, vm0;
	v6 =	vld [tilespmem:s17+$0xFFFFFFF0];
	v25 =	vsub.f32 v25, v5  }
0x124: {  	v17 =	vadd.f32 v19, v17;
	v22 =	vsub.f32 v22, v3;
	v23 =	vmul.f32 v30, v30  }
0x125: {  	v9 =	vsel vm0, v15, v9;
	v21 =	vsub.f32 v21, v3;
	v19 =	vld [tilespmem:s22+$0xFFFFF7C0];
	v27 =	vsub.f32 v27, v5  }
0x126: {  	v10 =	vsel vm0, v31, v10;
	v14 =	vmin.f32 v14, v17;
	v15 =	vsub.f32 v32, v5  }
0x127: {  	vm0 =	vlt.s32 v28, v10;
	v17 =	vsub.f32 v33, v4;
	v27 =	vmul.f32 v27, v27;
	[tilespmem:s18+$0x10] =	vst v14  }
0x128: {  	s23 =	sadd.s32 $0xFFFFFF90, s19;
	vm1 =	vgt.f32 v20, v9;
	vm2 =	veq.f32 v20, v9;
	v15 =	vmul.f32 v15, v15  }
0x129: {  	vm2 =	vmand vm0, vm2;
	v30 =	vor.u32 s23, v2;
	v17 =	vmul.f32 v17, v17  }
0x12a: {  	vm0 =	vlt.s32 v30, v13;
	v19 =	vsub.f32 v19, v3;
	v11 =	vadd.f32 v11, v15  }
0x12b: {  	vm1 =	vmor vm1, vm2;
	v21 =	vmul.f32 v21, v21;
	v15 =	vld [tilespmem:s17+$0xFFFFFFC0];
	v17 =	vadd.f32 v17, v27  }
0x12c: {  	v9 =	vsel vm1, v20, v9;
	v25 =	vmul.f32 v25, v25;
	v19 =	vmul.f32 v19, v19;
	v27 =	vld [tilespmem:s22+$0x20]  }
0x12d: {  	v20 =	vmul.f32 v22, v22;
	v10 =	vsel vm1, v28, v10;
	v17 =	vadd.f32 v17, v21  }
0x12e: {  	vm1 =	veq.f32 v14, v9;
	v11 =	vadd.f32 v11, v19;
	v19 =	vadd.f32 v23, v25;
	v21 =	vld [tilespmem:s18+$0x30]  }
0x12f: {  	v18 =	vadd.f32 v18, v24;
	vm2 =	vgt.f32 v14, v9;
	vm3 =	vlt.s32 v29, v10  }
0x130: {  	s23 =	sadd.s32 $0xFFFFFFD0, s19;
	vm1 =	vmand vm3, vm1;
	v15 =	vmin.f32 v15, v11;
	v22 =	vld [tilespmem:s17+$0xFFFFFFE0];
	v19 =	vadd.f32 v19, v20  }
0x131: {  	s24 =	sadd.s32 $0xFFFFFFB0, s19;
	vm1 =	vmor vm2, vm1;
	v11 =	vor.u32 s23, v2;
	[tilespmem:s17+$0xFFFFFFC0] =	vst v15;
	v20 =	vld [tilespmem:s17+$0x0];
	v23 =	vsub.f32 v27, v5  }
0x132: {  	v10 =	vsel vm1, v29, v10;
	v25 =	vor.u32 s24, v2;
	vm2 =	veq.f32 v15, v12;
	v24 =	vld [tilespmem:s22+$0xFFFFF7D0]  }
0x133: {  	v9 =	vsel vm1, v14, v9;
	vm0 =	vmand vm0, vm2;
	v14 =	vmin.f32 v21, v18  }
0x134: {  	vm1 =	vgt.f32 v15, v12;
	v18 =	vmul.f32 v23, v23;
	v21 =	vld [tilespmem:s17+$0x20];
	[tilespmem:s18+$0x30] =	vst v14;
	vm2 =	veq.f32 v14, v9;
	s18 =	smov.u32 s17  }
0x135: {  	vm0 =	vmor vm1, vm0;
	vm1 =	vgt.f32 v14, v9;
	v23 =	vld [tilespmem:s22+$0x7D0];
	v17 =	vmin.f32 v22, v17  }
0x136: {  	v12 =	vsel vm0, v15, v12;
	v13 =	vsel vm0, v30, v13;
	v15 =	vld [tilespmem:s22+$0xFFFFFFD0];
	[tilespmem:s17+$0xFFFFFFE0] =	vst v17;
	v19 =	vmin.f32 v20, v19  }
0x137: {  	v16 =	vmul.f32 v16, v16;
	vm0 =	vlt.s32 v8, v10;
	v22 =	vsub.f32 v24, v3;
	v20 =	vld [tilespmem:s22+$0x7F0]  }
0x138: {  	vm4 =	vlt.s32 v25, v13;
	v18 =	vadd.f32 v26, v18;
	vm3 =	veq.f32 v17, v12;
	v24 =	vld [tilespmem:s22+$0xFFFFFFF0]  }
0x139: {  	vm0 =	vmand vm0, vm2;
	vm5 =	vgt.f32 v17, v12;
	vm3 =	vmand vm4, vm3;
	v26 =	vld [tilespmem:s22+$0xFFFFF7F0]  }
0x13a: {  	vm0 =	vmor vm1, vm0;
	v18 =	vadd.f32 v18, v16;
	vm2 =	vmor vm5, vm3  }
0x13b: {  	v9 =	vsel vm0, v14, v9;
	v17 =	vsel vm2, v17, v12;
	v16 =	vsel vm2, v25, v13  }
0x13c: {  	v12 =	vmin.f32 v21, v18;
	vm1 =	veq.f32 v19, v17;
	v13 =	vsub.f32 v15, v5;
	v14 =	vld [tilespmem:s17+$0xFFFFFFD0];
	[tilespmem:s17+$0x0] =	vst v19  }
0x13d: {  	v10 =	vsel vm0, v8, v10;
	v15 =	vsub.f32 v23, v4;
	v18 =	vsub.f32 v24, v5;
	v21 =	vld [tilespmem:s22+$0xFFFFF810]  }
0x13e: {  	v23 =	vsub.f32 v20, v4;
	v8 =	vmul.f32 v13, v13;
	v13 =	vsub.f32 v26, v3;
	v25 =	vld [tilespmem:s22+$0x10];
	[tilespmem:s17+$0x20] =	vst v12  }
0x13f: {  	vm0 =	vlt.s32 v11, v16;
	v15 =	vmul.f32 v15, v15;
	v18 =	vmul.f32 v18, v18;
	v26 =	vld [tilespmem:s22+$0x30]  }
0x140: {  	vm2 =	vgt.f32 v19, v17;
	vm0 =	vmand vm0, vm1;
	v20 =	vmul.f32 v13, v13;
	v27 =	vld [tilespmem:s22+$0x810]  }
0x141: {  	v8 =	vadd.f32 v15, v8;
	v15 =	vmul.f32 v23, v23;
	v13 =	vmul.f32 v22, v22;
	v23 =	vld [tilespmem:s22+$0x830]  }
.Ltmp5:
0x142: {  	vm1 =	vmor vm2, vm0;
	(pc) =	sbr.rel @p0 .LBB2_13-.Ltmp5, $4  }
0x143: {  	v22 =	vadd.f32 v15, v18;
	v28 =	vadd.f32 v8, v13;
	v13 =	vsel vm1, v19, v17;
	v24 =	vld [tilespmem:s22+$0xFFFFF830]  }
0x144: {  	v17 =	vsub.f32 v21, v3;
	v8 =	vor.u32 s19, v2;
	v19 =	vsub.f32 v25, v5  }
0x145: {  	v15 =	vmin.f32 v14, v28;
	v18 =	vsub.f32 v26, v5;
	v21 =	vsub.f32 v27, v4  }
0x146: {  	s22 =	sadd.s32 $0x80, s22;
	v17 =	vmul.f32 v17, v17;
	vm0 =	veq.f32 v15, v9;
	v19 =	vmul.f32 v19, v19;
	[tilespmem:s17+$0xFFFFFFD0] =	vst v15;
	v14 =	vld [tilespmem:s17+$0x10]  }
0x147: {  	v5 =	vsel vm1, v11, v16;
	s17 =	sadd.s32 $0xFFFFFFA0, s21;
	v52 =	vadd.f32 v22, v20  }
0x148: {  	s19 =	sadd.s32 $0xFFFFFFC0, s21;
	v21 =	vmul.f32 v21, v21;
	vm12 =	vgt.f32 v15, v9;
	v53 =	vor.u32 s17, v2  }
0x149: {  	s20 =	sadd.s32 $0xFFFFFFE0, s21;
	v56 =	vmul.f32 v18, v18;
	v54 =	vor.u32 s19, v2;
	vm11 =	vlt.s32 v53, v10  }
0x14a: {  	v55 =	vor.u32 s20, v2;
	v6 =	vmin.f32 v6, v52;
	vm0 =	vmand vm11, vm0  }
0x14b: {  	v57 =	vadd.f32 v21, v19;
	v3 =	vsub.f32 v24, v3;
	vm0 =	vmor vm12, vm0  }
0x14c: {  	v4 =	vsub.f32 v23, v4;
	v58 =	vsel vm0, v15, v9;
	v59 =	vsel vm0, v53, v10  }
0x14d: {  	v60 =	vadd.f32 v57, v17;
	vm0 =	vlt.s32 v54, v59;
	vm13 =	veq.f32 v6, v58  }
0x14e: {  	v4 =	vmul.f32 v4, v4;
	vm2 =	vgt.f32 v6, v58;
	vm0 =	vmand vm0, vm13  }
0x14f: {  	v61 =	vld [tilespmem:s18+$0x30];
	v3 =	vmul.f32 v3, v3;
	v14 =	vmin.f32 v14, v60;
	vm0 =	vmor vm2, vm0  }
0x150: {  	v4 =	vadd.f32 v4, v56;
	v9 =	vsel vm0, v6, v58;
	v10 =	vsel vm0, v54, v59  }
0x151: {  	vm14 =	vgt.f32 v12, v13;
	vm15 =	veq.f32 v14, v9;
	vm6 =	vlt.s32 v55, v10  }
0x152: {  	vm3 =	vgt.f32 v14, v9;
	v3 =	vadd.f32 v4, v3;
	vm1 =	vmand vm6, vm15  }
0x153: {  	vm7 =	veq.f32 v12, v13;
	vm8 =	vlt.s32 v7, v5;
	vm1 =	vmor vm3, vm1  }
0x154: {  	v3 =	vmin.f32 v61, v3;
	v4 =	vsel vm1, v55, v10;
	v9 =	vsel vm1, v14, v9  }
0x155: {  	vm9 =	vmand vm8, vm7;
	vm10 =	veq.f32 v3, v9;
	vm11 =	vlt.s32 v8, v4  }
0x156: {  	vm0 =	vmor vm14, vm9;
	vm12 =	vgt.f32 v3, v9;
	vm2 =	vmand vm11, vm10  }
0x157: {  	v62 =	vsel vm0, v12, v13;
	vm1 =	vmor vm12, vm2  }
0x158: {  	v5 =	vsel vm0, v7, v5;
	v7 =	vsel vm1, v3, v9;
	v4 =	vsel vm1, v8, v4  }
0x159: {  	vm13 =	veq.f32 v7, v62;
	vm1 =	vlt.s32 v4, v5  }
0x15a: {  	vm14 =	vgt.f32 v7, v62;
	vm0 =	vmand vm13, vm1  }
0x15b: {  	vm0 =	vmor vm14, vm0  }
0x15c: {  	v7 =	vsel vm0, v7, v62  }
0x15d: {  	(xrf0) =	vmax.scan.msk.f32 $0xffff, v7;
	_ =	sdelay $0x5  }
0x15e: {  	v63, _, _ =	vpop (xrf0)  }
0x15f: {  	v8 =	vbroadcast v63, $0xF  }
0x160: {  	v4 =	vsel vm0, v4, v5  }
0x161: {  	v4 =	vxor.u32 $0x80000000, v4;
	vm15 =	veq.f32 v7, v8  }
0x162: {  	v4 =	vnsel vm15, $0xFFFFFFFF, v4  }
0x163: {  	(xrf0) =	vmin.scan.msk.u32 $0xffff, v4;
	_ =	sdelay $0x5  }
0x164: {  	v4, _, _ =	vpop (xrf0)  }
0x165: {  	(v2sf) =	vpush v4, $0xF;
	_ =	sdelay $0xe  }
0x166: {  	s31 =	spop (v2sf)  }
0x167: {  	v4 =	vmov s16;
	s17 =	sxor.u32 $0x80000000, s31  }
0x168: {  	v5 =	vmov s17  }
0x169: {  	[tilespmem:s18+$0xFFFFFFF0] =	vst v6;
	v7 =	vadd.s32 $0x1000, v5  }
0x16a: {  	[tilespmem:s18+$0x10] =	vst v14  }
0x16b: {  	[tilespmem:s18+$0x30] =	vst v3;
	s16 =	sadd.s32 $0x1, s16  }
0x16c: {  	p0 =	sne.s32 s16, $0x200;
	s17 =	simm.s32 $0x0;
	v6 =	vadd.s32 $0x800, v5;
	[tilespmem:v4+s13+$0x0] =	vst.idx.msk $0x1, v5  }
.Ltmp6:
0x16d: {  	v3 =	vld.idx.msk [tilespmem:v5+s17+$0x0], $0xffff;
	(pc) =	sbr.rel @p0 .LBB2_12-.Ltmp6, $2  }
0x16e: {  	v4 =	vld.idx.msk [tilespmem:v7+s17+$0x0], $0xffff;
	_ =	sdelay $0x2  }
0x16f: {  	v5 =	vld.idx.msk [tilespmem:v6+s17+$0x0], $0xffff  }
0x170: {  	s16 =	simm.s32 $0x2620  }
0x171: {  	v4 =	vld [tilespmem:s16+$0x10];
	_ =	sdelay $0x2  }
0x172: {  	v5 =	vld [tilespmem:s16+$0xFFFFFFF0]  }
0x173: {  	v7 =	vld [tilespmem:s16+$0xFFFFFFE0];
	_ =	sdelay $0x1  }
0x174: {  	s18 =	simm.s32 $0x2660;
	v6 =	vld [tilespmem:s16+$0x0]  }
0x175: {  	v15 =	vld [tilespmem:s18+$0xFFFFFFF0]  }
0x176: {  	v3 =	vld.idx.msk [tilespmem:v4+s2+$0x0], $0xffff  }
0x177: {  	v16 =	vld [tilespmem:s18+$0x0]  }
0x178: {  	v17 =	vld [tilespmem:s18+$0xFFFFFFE0];
	v8 =	vadd.s32 $0x800, v4  }
0x179: {  	v9 =	vld.idx.msk [tilespmem:v5+s2+$0x0], $0xffff  }
0x17a: {  	s16 =	simm.s32 $0x2220;
	v11 =	vld.idx.msk [tilespmem:v7+s2+$0x0], $0xffff  }
0x17b: {  	v12 =	vadd.s32 $0x800, v7;
	[tilespmem:s16+$0xFFFFFE10] =	vst v3;
	v3 =	vld [tilespmem:s18+$0x10]  }
0x17c: {  	v13 =	vadd.s32 $0x800, v5;
	v10 =	vld.idx.msk [tilespmem:v6+s2+$0x0], $0xffff  }
0x17d: {  	v14 =	vadd.s32 $0x800, v6;
	v8 =	vld.idx.msk [tilespmem:v8+s2+$0x0], $0xffff  }
0x17e: {  	v18 =	vld.idx.msk [tilespmem:v15+s2+$0x0], $0xffff  }
0x17f: {  	v4 =	vadd.s32 $0x1000, v4;
	[tilespmem:s16+$0xFFFFFDE0] =	vst v11;
	v11 =	vld.idx.msk [tilespmem:v16+s2+$0x0], $0xffff  }
0x180: {  	[tilespmem:s16+$0xFFFFFDF0] =	vst v9;
	v9 =	vld.idx.msk [tilespmem:v12+s2+$0x0], $0xffff  }
0x181: {  	v7 =	vadd.s32 $0x1000, v7;
	[tilespmem:s16+$0xFFFFFE00] =	vst v10;
	v12 =	vld.idx.msk [tilespmem:v13+s2+$0x0], $0xffff  }
0x182: {  	v5 =	vadd.s32 $0x1000, v5;
	[tilespmem:s16+$0x10] =	vst v8;
	v8 =	vld.idx.msk [tilespmem:v14+s2+$0x0], $0xffff  }
0x183: {  	v6 =	vadd.s32 $0x1000, v6;
	s18 =	simm.s32 $0x2260;
	v10 =	vld.idx.msk [tilespmem:v3+s2+$0x0], $0xffff  }
0x184: {  	s20 =	sand.u32 $0x1C0, s17;
	[tilespmem:s18+$0xFFFFFDF0] =	vst v18;
	v19 =	vadd.s32 $0x800, v3;
	v4 =	vld.idx.msk [tilespmem:v4+s2+$0x0], $0xffff  }
0x185: {  	[tilespmem:s20+$0x2200] =	vst v9;
	v14 =	vld.idx.msk [tilespmem:v17+s2+$0x0], $0xffff  }
0x186: {  	[tilespmem:s16+$0xFFFFFFF0] =	vst v12;
	v12 =	vld.idx.msk [tilespmem:v7+s2+$0x0], $0xffff  }
0x187: {  	v9 =	vld.idx.msk [tilespmem:v5+s2+$0x0], $0xffff;
	[tilespmem:s16+$0x0] =	vst v8  }
0x188: {  	v7 =	vadd.s32 $0x800, v16;
	v5 =	vadd.s32 $0x1000, v16;
	v8 =	vadd.s32 $0x800, v15;
	v13 =	vld.idx.msk [tilespmem:v6+s2+$0x0], $0xffff;
	[tilespmem:s18+$0xFFFFFE10] =	vst v10  }
0x189: {  	s19 =	simm.s32 $0x4;
	s21 =	simm.s32 $0x26A0;
	[tilespmem:s16+$0x210] =	vst v4;
	v4 =	vadd.s32 $0x1000, v15;
	v6 =	vadd.s32 $0x1000, v17;
	v10 =	vadd.s32 $0x800, v17;
	v15 =	vld.idx.msk [tilespmem:v19+s2+$0x0], $0xffff  }
.LBB2_16:
0x18a: {  	v16 =	vld [tilespmem:s21+$0x10];
	s19 =	sadd.s32 $0x4, s19;
	[tilespmem:s18+$0xFFFFFE00] =	vst v11  }
0x18b: {  	v11 =	vld [tilespmem:s21+$0xFFFFFFF0];
	p0 =	slt.u32 s19, $0x1C;
	[tilespmem:s18+$0xFFFFFDE0] =	vst v14;
	v14 =	vadd.s32 $0x1000, v3  }
0x18c: {  	v17 =	vld [tilespmem:s21+$0x0];
	[tilespmem:s20+$0x2400] =	vst v12  }
0x18d: {  	v12 =	vld [tilespmem:s21+$0xFFFFFFE0];
	[tilespmem:s16+$0x1F0] =	vst v9  }
0x18e: {  	v9 =	vld.idx.msk [tilespmem:v10+s2+$0x0], $0xffff;
	[tilespmem:s16+$0x200] =	vst v13;
	s16 =	smov.u32 s18  }
0x18f: {  	v13 =	vld.idx.msk [tilespmem:v8+s2+$0x0], $0xffff;
	[tilespmem:s18+$0x10] =	vst v15;
	v3 =	vmov v16  }
0x190: {  	v8 =	vadd.s32 $0x800, v11;
	v15 =	vadd.s32 $0x1000, v11;
	v18 =	vld.idx.msk [tilespmem:v14+s2+$0x0], $0xffff  }
0x191: {  	v19 =	vadd.s32 $0x1000, v17;
	v20 =	vld.idx.msk [tilespmem:v7+s2+$0x0], $0xffff;
	v7 =	vadd.s32 $0x800, v17  }
0x192: {  	s17 =	sadd.s32 $0x40, s17;
	v10 =	vadd.s32 $0x800, v12;
	v21 =	vadd.s32 $0x1000, v12;
	v16 =	vld.idx.msk [tilespmem:v16+s2+$0x0], $0xffff  }
0x193: {  	s20 =	sand.u32 $0x1C0, s17;
	v22 =	vld.idx.msk [tilespmem:v11+s2+$0x0], $0xffff  }
0x194: {  	v11 =	vld.idx.msk [tilespmem:v17+s2+$0x0], $0xffff;
	v17 =	vadd.s32 $0x800, v3;
	[tilespmem:s20+$0x2200] =	vst v9  }
.Ltmp7:
0x195: {  	v14 =	vld.idx.msk [tilespmem:v12+s2+$0x0], $0xffff;
	[tilespmem:s18+$0xFFFFFFF0] =	vst v13;
	(pc) =	sbr.rel @p0 .LBB2_16-.Ltmp7, $4  }
0x196: {  	v12 =	vld.idx.msk [tilespmem:v6+s2+$0x0], $0xffff;
	[tilespmem:s18+$0x210] =	vst v18;
	v6 =	vmov v21  }
0x197: {  	s18 =	sadd.s32 $0x40, s18;
	v9 =	vld.idx.msk [tilespmem:v4+s2+$0x0], $0xffff;
	[tilespmem:s16+$0x0] =	vst v20;
	v4 =	vmov v15  }
0x198: {  	[tilespmem:s18+$0xFFFFFE10] =	vst v16;
	v13 =	vld.idx.msk [tilespmem:v5+s2+$0x0], $0xffff;
	v5 =	vmov v19  }
0x199: {  	s21 =	sadd.s32 $0x40, s21;
	[tilespmem:s18+$0xFFFFFDF0] =	vst v22;
	v15 =	vld.idx.msk [tilespmem:v17+s2+$0x0], $0xffff  }
0x19a: {  	_ =	sdelay $0x3  }
0x19b: {  	[tilespmem:s18+$0xFFFFFDE0] =	vst v14;
	v3 =	vadd.s32 $0x1000, v3;
	v8 =	vld.idx.msk [tilespmem:v8+s2+$0x0], $0xffff  }
0x19c: {  	[tilespmem:s18+$0xFFFFFE00] =	vst v11;
	v10 =	vld.idx.msk [tilespmem:v10+s2+$0x0], $0xffff  }
0x19d: {  	v7 =	vld.idx.msk [tilespmem:v7+s2+$0x0], $0xffff  }
0x19e: {  	[tilespmem:s20+$0x2400] =	vst v12  }
0x19f: {  	s17 =	sadd.s32 $0x40, s17;
	[tilespmem:s18+$0x10] =	vst v15  }
0x1a0: {  	s17 =	sand.u32 $0x1C0, s17;
	v3 =	vld.idx.msk [tilespmem:v3+s2+$0x0], $0xffff;
	[tilespmem:s18+$0xFFFFFFF0] =	vst v8  }
0x1a1: {  	[tilespmem:s17+$0x2200] =	vst v10;
	v4 =	vld.idx.msk [tilespmem:v4+s2+$0x0], $0xffff  }
0x1a2: {  	[tilespmem:s18+$0x0] =	vst v7;
	v6 =	vld.idx.msk [tilespmem:v6+s2+$0x0], $0xffff  }
0x1a3: {  	[tilespmem:s16+$0x1F0] =	vst v9;
	v5 =	vld.idx.msk [tilespmem:v5+s2+$0x0], $0xffff  }
0x1a4: {  	[tilespmem:s16+$0x200] =	vst v13  }
0x1a5: {  	[tilespmem:s18+$0x210] =	vst v3  }
0x1a6: {  	[tilespmem:s18+$0x1F0] =	vst v4  }
0x1a7: {  	[tilespmem:s17+$0x2400] =	vst v6  }
0x1a8: {  	[tilespmem:s18+$0x200] =	vst v5  }
0x1a9: {  	[hbm4b:s7+s10] =	stream.strided.scatter [tilespmem:s14], [sflag:$0x1], $0x600, s11, s10, $0x38;
	[tilespmem:$0x2800] =	vst v63  }
0x1aa: {  	s15 =	sadd.s32 $0x1, s15;
	_ =	swait.ge [sflag:s12], $0x600  }
0x1ab: {  	p0 =	sne.s32 s15, s9;
	[sflag:s12] =	ssyncset.done $0x0  }
.Ltmp8:
0x1ac: {  	[sflag:s12] =	ssyncadd.s32 $0xFFFFFA00;
	(pc) =	sbr.rel @p0 .LBB2_1-.Ltmp8, $4  }
0x1ad: {  	[hbm4b:s8+s10] =	stream.strided.scatter [tilespmem:s13], [sflag:$0x1], $0x200, s11, s10, $0x38;
	[tilespmem:$0x2800] =	vst v63  }
0x1ae: {  	_ =	swait.ge [sflag:s12], $0x200  }
0x1af: {  	[sflag:s12] =	ssyncset.done $0x0  }
0x1b0: {  	[sflag:s12] =	ssyncadd.s32 $0xFFFFFE00  }
0x1b1: {  	_ =	sfence.sel $0x180000  }
0x1b2: {  	[bflag:$0x0] =	sbarrier.arrive $0xFFFF  }
0x1b3: {  	p0 =	sne.s32 s1, $0x0;
	_ =	strace $0x90000047  }
0x1b4: {  	s0 =	sadd.s32 @!p0 $0x100000, s0;
	[bflag:$0x2] =	sbarrier.arrive $0xFFFF  }
0x1b5: {  	[sflag:s0] =	ssyncadd.tile.s32 @!p0 $0x1;
	_ =	shalt  }
.Lfunc_end2:
_tile_overlayer_lowered:
.L_overlay_start_2:
0x1b6: {  	(tag) =	ssettag $0x2  }
0x1b7: {  	s0 =	rddreg [dreg:$0x0];
	s2 =	stileid.u32  }
0x1b8: {  	s1 =	rddreg [dreg:$0x1];
	p0 =	sne.s32 s2, $0x0  }
0x1b9: {  	s3 =	rddreg [dreg:$0x2];
	[bflag:$0x3] =	sbarrier.arrive $0xFFFF;
	s2 =	simm.s32 @!p0 $0x1C01  }
0x1ba: {  	[timem:s3], [sflag:s2] =	dma.local @!p0 [hbm:s0], s1  }
0x1bb: {  	s0 =	simm.s32 @!p0 $0x1  }
0x1bc: {  	_ =	swait.ge @!p0 [sflag:s0], s1  }
0x1bd: {  	s1 =	ssub.s32 @!p0 $0x0, s1;
	[sflag:s0] =	ssyncset.done @!p0 $0x0  }
0x1be: {  	[sflag:s0] =	ssyncadd.s32 @!p0 s1  }
0x1bf: {  	[bflag:$0x3] =	sbarrier.arrive $0xFFFF  }
0x1c0: {  	_ =	shalt  }

</sc_bundles>
